<compile_context>
chip_gen: v7x
topology: tpu7x:2x2x1
jax: 0.10.2.dev20260603
libtpu: 0.0.44.dev20260713+nightly
codegen_flags: <defaults>
</compile_context>

<pallas_src>
import jax
import jax.numpy as jnp
from jax.experimental import pallas as pl
from jax.experimental.pallas import tpu as pltpu
from jax.experimental.pallas import tpu_sc as plsc

_B, _N, _C = 32, 20000, 81
_TN = 20000
_W4 = 2048


def _sc_loc(loc_f, tloc_f, tc4_f):
    m = loc_f.shape[0]
    mesh = plsc.VectorSubcoreMesh(core_axis_name="core",
                                  subcore_axis_name="subcore")

    @pl.kernel(out_type=jax.ShapeDtypeStruct((32, 1, 16), jnp.float32),
               mesh=mesh,
               scratch_types=[pltpu.VMEM((16,), jnp.float32)])
    def loc_kernel(l_hbm, t_hbm, c_hbm, o_hbm, acc):
        core = jax.lax.axis_index("core")
        sub = jax.lax.axis_index("subcore")
        acc[...] = jnp.zeros((16,), jnp.float32)

        def body(l_v, t_v, c_v):
            @pl.loop(0, _W4, step=16)
            def _(i):
                sl = pl.ds(i, 16)
                d = l_v[sl] - t_v[sl]
                ad = jnp.abs(d)
                a2 = jnp.minimum(ad, 1.0)
                sl1 = a2 * (ad - 0.5 * a2)
                acc[...] += jnp.where(c_v[sl] > 0, sl1, 0.0)

        pltpu.emit_pipeline(
            body,
            grid=(m // _W4,),
            in_specs=[pl.BlockSpec((_W4,), index_map=lambda i: (i,)),
                      pl.BlockSpec((_W4,), index_map=lambda i: (i,)),
                      pl.BlockSpec((_W4,), index_map=lambda i: (i,))],
            out_specs=[],
            core_axis_name=("core", "subcore"),
            dimension_semantics=(pltpu.PARALLEL,),
        )(l_hbm, t_hbm, c_hbm)

        pltpu.sync_copy(acc, o_hbm.at[core * 16 + sub, 0])

    return loc_kernel(loc_f, tloc_f, tc4_f)


def _rdot(w, x):
    return jax.lax.dot_general(w, x, (((1,), (1,)), ((), ())),
                               preferred_element_type=jnp.float32)


def _pass1_kernel(conf_ref, tcls_ref, w1_ref, ce_ref):
    conf = conf_ref[0]
    tcl = tcls_ref[0].astype(jnp.bfloat16)
    w1 = w1_ref[...]

    ones8 = jnp.ones((1, 8), dtype=jnp.bfloat16)
    tcs = jax.lax.dot_general(tcl, ones8, (((0,), (0,)), ((), ())),
                              preferred_element_type=jnp.float32)[:, :1]

    e = jnp.exp(conf).astype(jnp.bfloat16)
    s = _rdot(w1, e)

    clsf = jax.lax.broadcasted_iota(jnp.int32, (_TN, _C), 1).astype(
        jnp.float32)
    masked = jnp.where(clsf == tcs, conf, 0.0)
    mh = masked.astype(jnp.bfloat16)
    ml = (masked - mh.astype(jnp.float32)).astype(jnp.bfloat16)
    gath = _rdot(w1, mh) + _rdot(w1, ml)

    ce_ref[0] = jnp.log(s[:1]) - gath[:1]


def _pass2_kernel(ce_ref, tcls_ref, locp_ref, out_ref):
    ce = ce_ref[...]
    tc = tcls_ref[...]
    pos = tc > 0
    posf = pos.astype(jnp.float32)
    num_pos = jnp.sum(posf, axis=1, keepdims=True)
    k = jnp.minimum(3.0 * num_pos, float(_N - 1))
    loss_c = jnp.where(pos, 0.0, ce)
    bits = jax.lax.bitcast_convert_type(loss_c, jnp.int32)

    def body(i, cand):
        trial = cand | (jnp.int32(1) << (30 - i))
        cnt = jnp.sum((bits >= trial).astype(jnp.float32), axis=1,
                      keepdims=True)
        return jnp.where(cnt >= k, trial, cand)

    cand = jax.lax.fori_loop(0, 31, body, jnp.zeros((_B, 1), jnp.int32))
    t = jax.lax.bitcast_convert_type(cand, jnp.float32)

    gt = loss_c > t
    cnt_gt = jnp.sum(gt.astype(jnp.float32), axis=1, keepdims=True)
    sum_gt = jnp.sum(jnp.where(gt, loss_c, 0.0), axis=1, keepdims=True)
    neg_c = jnp.where(k > 0, sum_gt + t * (k - cnt_gt), 0.0)
    pos_c = jnp.sum(jnp.where(pos, ce, 0.0), axis=1, keepdims=True)
    conf_sum = jnp.sum(pos_c + neg_c, axis=0, keepdims=True)
    ntot = jnp.sum(num_pos, axis=0, keepdims=True)
    lloc = jnp.sum(locp_ref[...]).reshape(1, 1)
    out_ref[...] = jnp.concatenate([conf_sum, ntot, lloc], axis=1)


def kernel(loc_data, conf_data, target_loc, target_conf):
    b, n, c = conf_data.shape
    tc = target_conf.astype(jnp.int32)
    tc_row = tc.reshape(b, 1, n)
    tc4_f = jnp.broadcast_to(tc[:, :, None], (b, n, 4)).reshape(-1)
    w1 = jnp.ones((8, c), dtype=jnp.bfloat16)

    locp = _sc_loc(loc_data.reshape(-1), target_loc.reshape(-1), tc4_f)

    ce4 = pl.pallas_call(
        _pass1_kernel,
        grid=(b,),
        in_specs=[
            pl.BlockSpec((1, _TN, c), lambda i: (i, 0, 0)),
            pl.BlockSpec((1, 1, _TN), lambda i: (i, 0, 0)),
            pl.BlockSpec((8, c), lambda i: (0, 0)),
        ],
        out_specs=pl.BlockSpec((1, 1, _TN), lambda i: (i, 0, 0)),
        out_shape=jax.ShapeDtypeStruct((b, 1, _TN), jnp.float32),
    )(conf_data, tc_row, w1)

    out = pl.pallas_call(
        _pass2_kernel,
        in_specs=[
            pl.BlockSpec((b, n), lambda: (0, 0)),
            pl.BlockSpec((b, n), lambda: (0, 0)),
            pl.BlockSpec((32, 1, 16), lambda: (0, 0, 0)),
        ],
        out_specs=pl.BlockSpec((1, 3), lambda: (0, 0)),
        out_shape=jax.ShapeDtypeStruct((1, 3), jnp.float32),
    )(ce4.reshape(b, n), tc, locp)

    n_tot = out[0, 1]
    return (out[0, 2] / n_tot, out[0, 0] / n_tot)

# --- scband reference (transcript-rebuilt; emitter-appended) ---
"""Pipeline reference for scband-loss-fun-4672924418246 (READ-ONLY COPY).

The authoritative reference and input builder live on the scoring server;
editing this copy changes nothing except your own understanding.
"""

import jax, jax.numpy as jnp
import numpy as np

B, N, C = 32, 20000, 81

def setup_inputs(seed: int = 0):
    key = jax.random.key(seed)
    k1, k2, k3, k4 = jax.random.split(key, 4)
    loc_data = jax.random.normal(k1, (B, N, 4), dtype=jnp.float32)
    conf_data = jax.random.normal(k2, (B, N, C), dtype=jnp.float32)
    target_loc = jax.random.normal(k3, (B, N, 4), dtype=jnp.float32)
    target_conf = jax.random.randint(k4, (B, N), 0, C)
    return {"loc_data": loc_data, "conf_data": conf_data, "target_loc": target_loc, "target_conf": target_conf}


def reference(loc_data, conf_data, target_loc, target_conf):
    b, n, c = conf_data.shape
    pos = target_conf > 0
    # localization smooth L1 over positive boxes (sum reduction)
    diff = loc_data - target_loc
    ad = jnp.abs(diff)
    sl1 = jnp.where(ad < 1.0, 0.5 * diff * diff, ad - 0.5)
    loss_loc = jnp.sum(sl1 * pos[..., None].astype(sl1.dtype))
    # per-box confidence loss for hard negative mining: logsumexp - gathered logit
    batch_conf = conf_data.reshape(-1, c)
    lse = jax.scipy.special.logsumexp(batch_conf, axis=1)
    gath = jnp.take_along_axis(batch_conf, target_conf.reshape(-1, 1), axis=1)[:, 0]
    loss_c = (lse - gath).reshape(b, n)
    loss_c = jnp.where(pos, 0.0, loss_c)
    # hard negative mining via double argsort rank trick
    loss_idx = jnp.argsort(-loss_c, axis=1)
    idx_rank = jnp.argsort(loss_idx, axis=1)
    num_pos = jnp.sum(pos.astype(jnp.int32), axis=1, keepdims=True)
    num_neg = jnp.minimum(3 * num_pos, n - 1)
    neg = idx_rank < num_neg
    mask = (pos | neg).astype(conf_data.dtype)
    # cross entropy (sum reduction) over selected pos+neg boxes
    logp = conf_data - jax.scipy.special.logsumexp(conf_data, axis=2, keepdims=True)
    ce = -jnp.take_along_axis(logp, target_conf[..., None], axis=2)[..., 0]
    loss_conf = jnp.sum(ce * mask)
    n_tot = jnp.sum(num_pos).astype(jnp.float32)
    return (loss_loc / n_tot, loss_conf / n_tot)

if __name__ == "__main__":
    import jax
    _d = setup_inputs()
    print(jax.jit(kernel)(*tuple(_d.values())))

</pallas_src>

<mosaic_0001>
#map = affine_map<(d0, d1) -> (0)>
#map1 = affine_map<(d0, d1) -> (0, 0, 0)>
module attributes {stable_mosaic.version = 14 : i64} {
  func.func @loc_kernel(%arg0: i32, %arg1: i32, %arg2: memref<2560000xf32, #tpu.memory_space<hbm>>, %arg3: memref<2560000xf32, #tpu.memory_space<hbm>>, %arg4: memref<2560000xi32, #tpu.memory_space<hbm>>, %arg5: memref<32x1x16xf32, #tpu.memory_space<hbm>>, %arg6: memref<16xf32, #tpu.memory_space<vmem>>) attributes {dimension_semantics = [#tpu.dimension_semantics<core_parallel>, #tpu.dimension_semantics<subcore_parallel>], iteration_bounds = array<i64: 2, 16>, scalar_prefetch = 0 : i64, scratch_operands = 1 : i64, tpu.core_type = #tpu.core_type<sc_vector_subcore>, window_params = [{transform_indices = #map}, {transform_indices = #map}, {transform_indices = #map}, {transform_indices = #map1}]} {
    %broadcast_in_dim3A = arith.constant 0.000000e+00 : f32
    %broadcast_in_dim3A_0 = vector.broadcast %broadcast_in_dim3A : f32 to vector<16xf32>
    %swap3A = arith.constant 0 : index
    %swap3A_1 = tpu.vector_load %arg6[%swap3A] {strides = array<i32>} : memref<16xf32, #tpu.memory_space<vmem>>, vector<16xf32>,
    %swap3A_2 = vector.shape_cast %swap3A_1 : vector<16xf32> to vector<16xf32>
    %swap3A_3 = vector.shape_cast %broadcast_in_dim3A_0 : vector<16xf32> to vector<16xf32>
    tpu.vector_store %arg6[%swap3A], %swap3A_3 {strides = array<i32>} : memref<16xf32, #tpu.memory_space<vmem>>, vector<16xf32>,
    %mul3A = arith.constant 1 : i32
    %mul3A_4 = arith.muli %arg1, %mul3A : i32
    %add3A = arith.constant 0 : i32
    %add3A_5 = arith.addi %add3A, %mul3A_4 : i32
    %mul3A_6 = arith.constant 16 : i32
    %mul3A_7 = arith.muli %arg0, %mul3A_6 : i32
    %add3A_8 = arith.addi %add3A_5, %mul3A_7 : i32
    %lt3A = arith.constant 2 : i32
    %lt3A_9 = arith.cmpi slt, %add3A_8, %lt3A : i32
    %jit3A = arith.constant 40 : i32
    %jit3A_10 = arith.constant 39 : i32
    %select_n3A = arith.select %lt3A_9, %jit3A, %jit3A_10 : i32
    %lt3A_11 = arith.constant 2 : i32
    %lt3A_12 = arith.cmpi slt, %add3A_8, %lt3A_11 : i32
    %mul3A_13 = arith.muli %add3A_8, %select_n3A : i32
    %mul3A_14 = arith.constant 39 : i32
    %mul3A_15 = arith.muli %add3A_8, %mul3A_14 : i32
    %add3A_16 = arith.constant 2 : i32
    %add3A_17 = arith.addi %mul3A_15, %add3A_16 : i32
    %select_n3A_18 = arith.select %lt3A_12, %mul3A_13, %add3A_17 : i32
    %mul3A_19 = arith.constant 1 : i32
    %mul3A_20 = arith.muli %mul3A_19, %select_n3A : i32
    "tpu.region"() ({
      %run_scoped3A_24 = memref.alloca() : memref<4096xf32, #tpu.memory_space<vmem>>
      %run_scoped3A_25 = tpu.sem_alloc : memref<2x!tpu.dma_semaphore, #tpu.memory_space<semaphore_mem>>
      %run_scoped3A_26 = memref.alloca() : memref<4096xf32, #tpu.memory_space<vmem>>
      %run_scoped3A_27 = tpu.sem_alloc : memref<2x!tpu.dma_semaphore, #tpu.memory_space<semaphore_mem>>
      %run_scoped3A_28 = memref.alloca() : memref<4096xi32, #tpu.memory_space<vmem>>
      %run_scoped3A_29 = tpu.sem_alloc : memref<2x!tpu.dma_semaphore, #tpu.memory_space<semaphore_mem>>
      %gt3A = arith.constant 0 : i32
      %gt3A_30 = arith.cmpi sgt, %mul3A_20, %gt3A : i32
      %convert_element_type3A = arith.extui %gt3A_30 : i1 to i32
      %cond3A = arith.constant 0 : i32
      %cond3A_31 = arith.cmpi ne, %convert_element_type3A, %cond3A : i32
      scf.if %cond3A_31 {
        %mul3A_32 = arith.constant 1 : i32
        %mul3A_33 = arith.muli %mul3A_32, %select_n3A : i32
        %sub3A = arith.constant 1 : i32
        %sub3A_34 = arith.subi %mul3A_33, %sub3A : i32
        %eq3A = arith.constant 0 : i32
        %eq3A_35 = arith.cmpi eq, %sub3A_34, %eq3A : i32
        %add3A_36 = arith.constant 0 : i32
        %add3A_37 = arith.addi %add3A_36, %select_n3A_18 : i32
        %select_n3A_38 = arith.constant true
        %select_n3A_39 = arith.constant 0 : i32
        %select_n3A_40 = arith.constant -1 : i32
        %select_n3A_41 = arith.select %select_n3A_38, %select_n3A_40, %select_n3A_39 : i32
        %eq3A_42 = arith.constant -1 : i32
        %eq3A_43 = arith.cmpi eq, %select_n3A_41, %eq3A_42 : i32
        %sub3A_44 = arith.constant 1 : i32
        %sub3A_45 = arith.subi %select_n3A, %sub3A_44 : i32
        %select_n3A_46 = arith.select %eq3A_43, %sub3A_45, %select_n3A_41 : i32
        %add3A_47 = arith.addi %select_n3A_46, %select_n3A_18 : i32
        %select_n3A_48 = arith.constant true
        %select_n3A_49 = arith.constant 0 : i32
        %select_n3A_50 = arith.constant 1 : i32
        %select_n3A_51 = arith.select %select_n3A_48, %select_n3A_50, %select_n3A_49 : i32
        %eq3A_52 = arith.cmpi eq, %select_n3A_51, %select_n3A : i32
        %select_n3A_53 = arith.constant 0 : i32
        %select_n3A_54 = arith.select %eq3A_52, %select_n3A_53, %select_n3A_51 : i32
        %add3A_55 = arith.addi %select_n3A_54, %select_n3A_18 : i32
        %add3A_56 = arith.constant 1 : i32
        %add3A_57 = arith.addi %select_n3A_54, %add3A_56 : i32
        %select_n3A_58 = arith.constant true
        %select_n3A_59 = arith.select %select_n3A_58, %add3A_57, %select_n3A_54 : i32
        %eq3A_60 = arith.cmpi eq, %select_n3A_59, %select_n3A : i32
        %select_n3A_61 = arith.constant 0 : i32
        %select_n3A_62 = arith.select %eq3A_60, %select_n3A_61, %select_n3A_59 : i32
        %add3A_63 = arith.addi %select_n3A_62, %select_n3A_18 : i32
        "tpu.trace_start"() <{level = 10 : i32, message = "ep_initialize_0"}> : () -> ()
        %rem3A = arith.constant 0 : i32
        %rem3A_64 = arith.constant 2 : i32
        %rem3A_65 = arith.remui %rem3A, %rem3A_64 : i32
        %mul3A_66 = arith.constant 2048 : i32
        %mul3A_67 = arith.muli %mul3A_66, %add3A_37 : i32
        %mul3A_68 = arith.constant 2048 : i32
        %mul3A_69 = arith.muli %rem3A_65, %mul3A_68 : i32
        %add3A_70 = arith.constant 0 : i32
        %add3A_71 = arith.addi %mul3A_69, %add3A_70 : i32
        %dma_start3A = tpu.memref_slice %run_scoped3A_24[%add3A_71] : memref<4096xf32, #tpu.memory_space<vmem>> -> memref<2048xf32, #tpu.memory_space<vmem>>
        %dma_start3A_72 = tpu.memref_slice %arg2[%mul3A_67] : memref<2560000xf32, #tpu.memory_space<hbm>> -> memref<2048xf32, #tpu.memory_space<hbm>>
        %dma_start3A_73 = tpu.memref_slice %run_scoped3A_25[%rem3A_65] : memref<2x!tpu.dma_semaphore, #tpu.memory_space<semaphore_mem>> -> memref<1x!tpu.dma_semaphore, #tpu.memory_space<semaphore_mem>>
        %dma_start3A_74 = tpu.memref_squeeze %dma_start3A_73 : memref<1x!tpu.dma_semaphore, #tpu.memory_space<semaphore_mem>> -> memref<!tpu.dma_semaphore, #tpu.memory_space<semaphore_mem>>
        %dma_start3A_75 = tpu.memref_slice %run_scoped3A_24[%add3A_71] : memref<4096xf32, #tpu.memory_space<vmem>> -> memref<2048xf32, #tpu.memory_space<vmem>>
        %dma_start3A_76 = tpu.memref_slice %arg2[%mul3A_67] : memref<2560000xf32, #tpu.memory_space<hbm>> -> memref<2048xf32, #tpu.memory_space<hbm>>
        tpu.enqueue_dma source(%dma_start3A_76 : memref<2048xf32, #tpu.memory_space<hbm>>) target(%dma_start3A_75 : memref<2048xf32, #tpu.memory_space<vmem>>) target_semaphore(%dma_start3A_74 : memref<!tpu.dma_semaphore, #tpu.memory_space<semaphore_mem>>)
        %add3A_77 = arith.constant 0 : i32
        %add3A_78 = arith.constant 1 : i32
        %add3A_79 = arith.addi %add3A_77, %add3A_78 : i32
        %select_n3A_80 = arith.constant true
        %select_n3A_81 = arith.constant 0 : i32
        %select_n3A_82 = arith.select %select_n3A_80, %add3A_79, %select_n3A_81 : i32
        %rem3A_83 = arith.constant 0 : i32
        %rem3A_84 = arith.constant 2 : i32
        %rem3A_85 = arith.remui %rem3A_83, %rem3A_84 : i32
        %mul3A_86 = arith.constant 2048 : i32
        %mul3A_87 = arith.muli %mul3A_86, %add3A_37 : i32
        %mul3A_88 = arith.constant 2048 : i32
        %mul3A_89 = arith.muli %rem3A_85, %mul3A_88 : i32
        %add3A_90 = arith.constant 0 : i32
        %add3A_91 = arith.addi %mul3A_89, %add3A_90 : i32
        %dma_start3A_92 = tpu.memref_slice %run_scoped3A_26[%add3A_91] : memref<4096xf32, #tpu.memory_space<vmem>> -> memref<2048xf32, #tpu.memory_space<vmem>>
        %dma_start3A_93 = tpu.memref_slice %arg3[%mul3A_87] : memref<2560000xf32, #tpu.memory_space<hbm>> -> memref<2048xf32, #tpu.memory_space<hbm>>
        %dma_start3A_94 = tpu.memref_slice %run_scoped3A_27[%rem3A_85] : memref<2x!tpu.dma_semaphore, #tpu.memory_space<semaphore_mem>> -> memref<1x!tpu.dma_semaphore, #tpu.memory_space<semaphore_mem>>
        %dma_start3A_95 = tpu.memref_squeeze %dma_start3A_94 : memref<1x!tpu.dma_semaphore, #tpu.memory_space<semaphore_mem>> -> memref<!tpu.dma_semaphore, #tpu.memory_space<semaphore_mem>>
        %dma_start3A_96 = tpu.memref_slice %run_scoped3A_26[%add3A_91] : memref<4096xf32, #tpu.memory_space<vmem>> -> memref<2048xf32, #tpu.memory_space<vmem>>
        %dma_start3A_97 = tpu.memref_slice %arg3[%mul3A_87] : memref<2560000xf32, #tpu.memory_space<hbm>> -> memref<2048xf32, #tpu.memory_space<hbm>>
        tpu.enqueue_dma source(%dma_start3A_97 : memref<2048xf32, #tpu.memory_space<hbm>>) target(%dma_start3A_96 : memref<2048xf32, #tpu.memory_space<vmem>>) target_semaphore(%dma_start3A_95 : memref<!tpu.dma_semaphore, #tpu.memory_space<semaphore_mem>>)
        %add3A_98 = arith.constant 0 : i32
        %add3A_99 = arith.constant 1 : i32
        %add3A_100 = arith.addi %add3A_98, %add3A_99 : i32
        %select_n3A_101 = arith.constant true
        %select_n3A_102 = arith.constant 0 : i32
        %select_n3A_103 = arith.select %select_n3A_101, %add3A_100, %select_n3A_102 : i32
        %rem3A_104 = arith.constant 0 : i32
        %rem3A_105 = arith.constant 2 : i32
        %rem3A_106 = arith.remui %rem3A_104, %rem3A_105 : i32
        %mul3A_107 = arith.constant 2048 : i32
        %mul3A_108 = arith.muli %mul3A_107, %add3A_37 : i32
        %mul3A_109 = arith.constant 2048 : i32
        %mul3A_110 = arith.muli %rem3A_106, %mul3A_109 : i32
        %add3A_111 = arith.constant 0 : i32
        %add3A_112 = arith.addi %mul3A_110, %add3A_111 : i32
        %dma_start3A_113 = tpu.memref_slice %run_scoped3A_28[%add3A_112] : memref<4096xi32, #tpu.memory_space<vmem>> -> memref<2048xi32, #tpu.memory_space<vmem>>
        %dma_start3A_114 = tpu.memref_slice %arg4[%mul3A_108] : memref<2560000xi32, #tpu.memory_space<hbm>> -> memref<2048xi32, #tpu.memory_space<hbm>>
        %dma_start3A_115 = tpu.memref_slice %run_scoped3A_29[%rem3A_106] : memref<2x!tpu.dma_semaphore, #tpu.memory_space<semaphore_mem>> -> memref<1x!tpu.dma_semaphore, #tpu.memory_space<semaphore_mem>>
        %dma_start3A_116 = tpu.memref_squeeze %dma_start3A_115 : memref<1x!tpu.dma_semaphore, #tpu.memory_space<semaphore_mem>> -> memref<!tpu.dma_semaphore, #tpu.memory_space<semaphore_mem>>
        %dma_start3A_117 = tpu.memref_slice %run_scoped3A_28[%add3A_112] : memref<4096xi32, #tpu.memory_space<vmem>> -> memref<2048xi32, #tpu.memory_space<vmem>>
        %dma_start3A_118 = tpu.memref_slice %arg4[%mul3A_108] : memref<2560000xi32, #tpu.memory_space<hbm>> -> memref<2048xi32, #tpu.memory_space<hbm>>
        tpu.enqueue_dma source(%dma_start3A_118 : memref<2048xi32, #tpu.memory_space<hbm>>) target(%dma_start3A_117 : memref<2048xi32, #tpu.memory_space<vmem>>) target_semaphore(%dma_start3A_116 : memref<!tpu.dma_semaphore, #tpu.memory_space<semaphore_mem>>)
        %add3A_119 = arith.constant 0 : i32
        %add3A_120 = arith.constant 1 : i32
        %add3A_121 = arith.addi %add3A_119, %add3A_120 : i32
        %select_n3A_122 = arith.constant true
        %select_n3A_123 = arith.constant 0 : i32
        %select_n3A_124 = arith.select %select_n3A_122, %add3A_121, %select_n3A_123 : i32
        %while3A = arith.constant 0 : i32
        %while3A_125 = arith.constant 0 : i32
        %while3A_126 = arith.constant 0 : i32
        %while3A_127 = arith.constant 0 : i32
        %while3A_128 = arith.constant 0 : i32
        "tpu.trace_stop"() : () -> ()
        %while3A_129 = arith.subi %mul3A_20, %while3A : i32
        %while3A_130 = arith.addi %while3A, %while3A_129 : i32
        %while3A_131 = arith.constant 1 : i32
        %while3A_132 = arith.divsi %while3A_129, %while3A_131 : i32
        %while3A_133 = arith.muli %while3A_132, %while3A_131 : i32
        %while3A_134 = arith.addi %while3A, %while3A_133 : i32
        %while3A_135 = arith.constant 1 : i32
        %while3A_136:7 = scf.for %while3A_193 = %while3A to %while3A_134 step %while3A_135 iter_args(%while3A_194 = %select_n3A_82, %while3A_195 = %while3A_125, %while3A_196 = %select_n3A_103, %while3A_197 = %while3A_126, %while3A_198 = %select_n3A_124, %while3A_199 = %while3A_127, %while3A_200 = %while3A_128) -> (i32, i32, i32, i32, i32, i32, i32)  : i32 {
          %mul3A_201 = arith.constant 1 : i32
          %mul3A_202 = arith.muli %mul3A_201, %select_n3A : i32
          %eq3A_203 = arith.constant 0 : i32
          %eq3A_204 = arith.cmpi eq, %while3A_193, %eq3A_203 : i32
          %sub3A_205 = arith.constant 1 : i32
          %sub3A_206 = arith.subi %mul3A_202, %sub3A_205 : i32
          %eq3A_207 = arith.cmpi eq, %while3A_193, %sub3A_206 : i32
          %add3A_208 = arith.addi %while3A_200, %select_n3A_18 : i32
          %sub3A_209 = arith.constant 1 : i32
          %sub3A_210 = arith.subi %while3A_200, %sub3A_209 : i32
          %select_n3A_211 = arith.constant true
          %select_n3A_212 = arith.select %select_n3A_211, %sub3A_210, %while3A_200 : i32
          %eq3A_213 = arith.constant -1 : i32
          %eq3A_214 = arith.cmpi eq, %select_n3A_212, %eq3A_213 : i32
          %sub3A_215 = arith.constant 1 : i32
          %sub3A_216 = arith.subi %select_n3A, %sub3A_215 : i32
          %select_n3A_217 = arith.select %eq3A_214, %sub3A_216, %select_n3A_212 : i32
          %add3A_218 = arith.addi %select_n3A_217, %select_n3A_18 : i32
          %add3A_219 = arith.constant 1 : i32
          %add3A_220 = arith.addi %while3A_200, %add3A_219 : i32
          %select_n3A_221 = arith.constant true
          %select_n3A_222 = arith.select %select_n3A_221, %add3A_220, %while3A_200 : i32
          %eq3A_223 = arith.cmpi eq, %select_n3A_222, %select_n3A : i32
          %select_n3A_224 = arith.constant 0 : i32
          %select_n3A_225 = arith.select %eq3A_223, %select_n3A_224, %select_n3A_222 : i32
          %add3A_226 = arith.addi %select_n3A_225, %select_n3A_18 : i32
          %add3A_227 = arith.constant 1 : i32
          %add3A_228 = arith.addi %select_n3A_225, %add3A_227 : i32
          %select_n3A_229 = arith.constant true
          %select_n3A_230 = arith.select %select_n3A_229, %add3A_228, %select_n3A_225 : i32
          %eq3A_231 = arith.cmpi eq, %select_n3A_230, %select_n3A : i32
          %select_n3A_232 = arith.constant 0 : i32
          %select_n3A_233 = arith.select %eq3A_231, %select_n3A_232, %select_n3A_230 : i32
          %add3A_234 = arith.addi %select_n3A_233, %select_n3A_18 : i32
          %ne3A = arith.cmpi ne, %add3A_208, %add3A_226 : i32
          %or3A = arith.constant false
          %or3A_235 = arith.ori %or3A, %ne3A : i1
          %sub3A_236 = arith.constant 2 : i32
          %sub3A_237 = arith.subi %mul3A_202, %sub3A_236 : i32
          %add3A_238 = arith.constant 1 : i32
          %add3A_239 = arith.addi %sub3A_237, %add3A_238 : i32
          %ge3A = arith.cmpi sge, %while3A_193, %add3A_239 : i32
          %not3A = arith.constant true
          %not3A_240 = arith.xori %ge3A, %not3A : i1
          %and3A = arith.andi %or3A_235, %not3A_240 : i1
          %convert_element_type3A_241 = arith.extui %and3A : i1 to i32
          %cond3A_242 = arith.constant 0 : i32
          %cond3A_243 = arith.cmpi ne, %convert_element_type3A_241, %cond3A_242 : i32
          scf.if %cond3A_243 {
            "tpu.trace_start"() <{level = 10 : i32, message = "ep_copy_in"}> : () -> ()
            %rem3A_412 = arith.constant 2 : i32
            %rem3A_413 = arith.remui %while3A_194, %rem3A_412 : i32
            %mul3A_414 = arith.constant 2048 : i32
            %mul3A_415 = arith.muli %mul3A_414, %add3A_226 : i32
            %mul3A_416 = arith.constant 2048 : i32
            %mul3A_417 = arith.muli %rem3A_413, %mul3A_416 : i32
            %add3A_418 = arith.constant 0 : i32
            %add3A_419 = arith.addi %mul3A_417, %add3A_418 : i32
            %dma_start3A_420 = tpu.memref_slice %run_scoped3A_24[%add3A_419] : memref<4096xf32, #tpu.memory_space<vmem>> -> memref<2048xf32, #tpu.memory_space<vmem>>
            %dma_start3A_421 = tpu.memref_slice %arg2[%mul3A_415] : memref<2560000xf32, #tpu.memory_space<hbm>> -> memref<2048xf32, #tpu.memory_space<hbm>>
            %dma_start3A_422 = tpu.memref_slice %run_scoped3A_25[%rem3A_413] : memref<2x!tpu.dma_semaphore, #tpu.memory_space<semaphore_mem>> -> memref<1x!tpu.dma_semaphore, #tpu.memory_space<semaphore_mem>>
            %dma_start3A_423 = tpu.memref_squeeze %dma_start3A_422 : memref<1x!tpu.dma_semaphore, #tpu.memory_space<semaphore_mem>> -> memref<!tpu.dma_semaphore, #tpu.memory_space<semaphore_mem>>
            %dma_start3A_424 = tpu.memref_slice %run_scoped3A_24[%add3A_419] : memref<4096xf32, #tpu.memory_space<vmem>> -> memref<2048xf32, #tpu.memory_space<vmem>>
            %dma_start3A_425 = tpu.memref_slice %arg2[%mul3A_415] : memref<2560000xf32, #tpu.memory_space<hbm>> -> memref<2048xf32, #tpu.memory_space<hbm>>
            tpu.enqueue_dma source(%dma_start3A_425 : memref<2048xf32, #tpu.memory_space<hbm>>) target(%dma_start3A_424 : memref<2048xf32, #tpu.memory_space<vmem>>) target_semaphore(%dma_start3A_423 : memref<!tpu.dma_semaphore, #tpu.memory_space<semaphore_mem>>)
            "tpu.trace_stop"() : () -> ()
          } else {
          }
          %and3A_244 = arith.constant true
          %and3A_245 = arith.andi %and3A, %and3A_244 : i1
          %add3A_246 = arith.constant 1 : i32
          %add3A_247 = arith.addi %while3A_194, %add3A_246 : i32
          %select_n3A_248 = arith.select %and3A_245, %add3A_247, %while3A_194 : i32
          %ne3A_249 = arith.cmpi ne, %add3A_208, %add3A_226 : i32
          %or3A_250 = arith.constant false
          %or3A_251 = arith.ori %or3A_250, %ne3A_249 : i1
          %sub3A_252 = arith.constant 2 : i32
          %sub3A_253 = arith.subi %mul3A_202, %sub3A_252 : i32
          %add3A_254 = arith.constant 1 : i32
          %add3A_255 = arith.addi %sub3A_253, %add3A_254 : i32
          %ge3A_256 = arith.cmpi sge, %while3A_193, %add3A_255 : i32
          %not3A_257 = arith.constant true
          %not3A_258 = arith.xori %ge3A_256, %not3A_257 : i1
          %and3A_259 = arith.andi %or3A_251, %not3A_258 : i1
          %convert_element_type3A_260 = arith.extui %and3A_259 : i1 to i32
          %cond3A_261 = arith.constant 0 : i32
          %cond3A_262 = arith.cmpi ne, %convert_element_type3A_260, %cond3A_261 : i32
          scf.if %cond3A_262 {
            "tpu.trace_start"() <{level = 10 : i32, message = "ep_copy_in"}> : () -> ()
            %rem3A_412 = arith.constant 2 : i32
            %rem3A_413 = arith.remui %while3A_196, %rem3A_412 : i32
            %mul3A_414 = arith.constant 2048 : i32
            %mul3A_415 = arith.muli %mul3A_414, %add3A_226 : i32
            %mul3A_416 = arith.constant 2048 : i32
            %mul3A_417 = arith.muli %rem3A_413, %mul3A_416 : i32
            %add3A_418 = arith.constant 0 : i32
            %add3A_419 = arith.addi %mul3A_417, %add3A_418 : i32
            %dma_start3A_420 = tpu.memref_slice %run_scoped3A_26[%add3A_419] : memref<4096xf32, #tpu.memory_space<vmem>> -> memref<2048xf32, #tpu.memory_space<vmem>>
            %dma_start3A_421 = tpu.memref_slice %arg3[%mul3A_415] : memref<2560000xf32, #tpu.memory_space<hbm>> -> memref<2048xf32, #tpu.memory_space<hbm>>
            %dma_start3A_422 = tpu.memref_slice %run_scoped3A_27[%rem3A_413] : memref<2x!tpu.dma_semaphore, #tpu.memory_space<semaphore_mem>> -> memref<1x!tpu.dma_semaphore, #tpu.memory_space<semaphore_mem>>
            %dma_start3A_423 = tpu.memref_squeeze %dma_start3A_422 : memref<1x!tpu.dma_semaphore, #tpu.memory_space<semaphore_mem>> -> memref<!tpu.dma_semaphore, #tpu.memory_space<semaphore_mem>>
            %dma_start3A_424 = tpu.memref_slice %run_scoped3A_26[%add3A_419] : memref<4096xf32, #tpu.memory_space<vmem>> -> memref<2048xf32, #tpu.memory_space<vmem>>
            %dma_start3A_425 = tpu.memref_slice %arg3[%mul3A_415] : memref<2560000xf32, #tpu.memory_space<hbm>> -> memref<2048xf32, #tpu.memory_space<hbm>>
            tpu.enqueue_dma source(%dma_start3A_425 : memref<2048xf32, #tpu.memory_space<hbm>>) target(%dma_start3A_424 : memref<2048xf32, #tpu.memory_space<vmem>>) target_semaphore(%dma_start3A_423 : memref<!tpu.dma_semaphore, #tpu.memory_space<semaphore_mem>>)
            "tpu.trace_stop"() : () -> ()
          } else {
          }
          %and3A_263 = arith.constant true
          %and3A_264 = arith.andi %and3A_259, %and3A_263 : i1
          %add3A_265 = arith.constant 1 : i32
          %add3A_266 = arith.addi %while3A_196, %add3A_265 : i32
          %select_n3A_267 = arith.select %and3A_264, %add3A_266, %while3A_196 : i32
          %ne3A_268 = arith.cmpi ne, %add3A_208, %add3A_226 : i32
          %or3A_269 = arith.constant false
          %or3A_270 = arith.ori %or3A_269, %ne3A_268 : i1
          %sub3A_271 = arith.constant 2 : i32
          %sub3A_272 = arith.subi %mul3A_202, %sub3A_271 : i32
          %add3A_273 = arith.constant 1 : i32
          %add3A_274 = arith.addi %sub3A_272, %add3A_273 : i32
          %ge3A_275 = arith.cmpi sge, %while3A_193, %add3A_274 : i32
          %not3A_276 = arith.constant true
          %not3A_277 = arith.xori %ge3A_275, %not3A_276 : i1
          %and3A_278 = arith.andi %or3A_270, %not3A_277 : i1
          %convert_element_type3A_279 = arith.extui %and3A_278 : i1 to i32
          %cond3A_280 = arith.constant 0 : i32
          %cond3A_281 = arith.cmpi ne, %convert_element_type3A_279, %cond3A_280 : i32
          scf.if %cond3A_281 {
            "tpu.trace_start"() <{level = 10 : i32, message = "ep_copy_in"}> : () -> ()
            %rem3A_412 = arith.constant 2 : i32
            %rem3A_413 = arith.remui %while3A_198, %rem3A_412 : i32
            %mul3A_414 = arith.constant 2048 : i32
            %mul3A_415 = arith.muli %mul3A_414, %add3A_226 : i32
            %mul3A_416 = arith.constant 2048 : i32
            %mul3A_417 = arith.muli %rem3A_413, %mul3A_416 : i32
            %add3A_418 = arith.constant 0 : i32
            %add3A_419 = arith.addi %mul3A_417, %add3A_418 : i32
            %dma_start3A_420 = tpu.memref_slice %run_scoped3A_28[%add3A_419] : memref<4096xi32, #tpu.memory_space<vmem>> -> memref<2048xi32, #tpu.memory_space<vmem>>
            %dma_start3A_421 = tpu.memref_slice %arg4[%mul3A_415] : memref<2560000xi32, #tpu.memory_space<hbm>> -> memref<2048xi32, #tpu.memory_space<hbm>>
            %dma_start3A_422 = tpu.memref_slice %run_scoped3A_29[%rem3A_413] : memref<2x!tpu.dma_semaphore, #tpu.memory_space<semaphore_mem>> -> memref<1x!tpu.dma_semaphore, #tpu.memory_space<semaphore_mem>>
            %dma_start3A_423 = tpu.memref_squeeze %dma_start3A_422 : memref<1x!tpu.dma_semaphore, #tpu.memory_space<semaphore_mem>> -> memref<!tpu.dma_semaphore, #tpu.memory_space<semaphore_mem>>
            %dma_start3A_424 = tpu.memref_slice %run_scoped3A_28[%add3A_419] : memref<4096xi32, #tpu.memory_space<vmem>> -> memref<2048xi32, #tpu.memory_space<vmem>>
            %dma_start3A_425 = tpu.memref_slice %arg4[%mul3A_415] : memref<2560000xi32, #tpu.memory_space<hbm>> -> memref<2048xi32, #tpu.memory_space<hbm>>
            tpu.enqueue_dma source(%dma_start3A_425 : memref<2048xi32, #tpu.memory_space<hbm>>) target(%dma_start3A_424 : memref<2048xi32, #tpu.memory_space<vmem>>) target_semaphore(%dma_start3A_423 : memref<!tpu.dma_semaphore, #tpu.memory_space<semaphore_mem>>)
            "tpu.trace_stop"() : () -> ()
          } else {
          }
          %and3A_282 = arith.constant true
          %and3A_283 = arith.andi %and3A_278, %and3A_282 : i1
          %add3A_284 = arith.constant 1 : i32
          %add3A_285 = arith.addi %while3A_198, %add3A_284 : i32
          %select_n3A_286 = arith.select %and3A_283, %add3A_285, %while3A_198 : i32
          %ne3A_287 = arith.cmpi ne, %add3A_208, %add3A_218 : i32
          %or3A_288 = arith.constant false
          %or3A_289 = arith.ori %or3A_288, %ne3A_287 : i1
          %or3A_290 = arith.ori %or3A_289, %eq3A_204 : i1
          %convert_element_type3A_291 = arith.extui %or3A_290 : i1 to i32
          %cond3A_292 = arith.constant 0 : i32
          %cond3A_293 = arith.cmpi ne, %convert_element_type3A_291, %cond3A_292 : i32
          scf.if %cond3A_293 {
            "tpu.trace_start"() <{level = 10 : i32, message = "ep_wait_in"}> : () -> ()
            %mul3A_412 = arith.constant 2048 : i32
            %mul3A_413 = arith.muli %mul3A_412, %add3A_208 : i32
            %rem3A_414 = arith.constant 2 : i32
            %rem3A_415 = arith.remui %while3A_195, %rem3A_414 : i32
            %mul3A_416 = arith.constant 2048 : i32
            %mul3A_417 = arith.muli %rem3A_415, %mul3A_416 : i32
            %add3A_418 = arith.constant 0 : i32
            %add3A_419 = arith.addi %mul3A_417, %add3A_418 : i32
            %dma_wait3A = tpu.memref_slice %run_scoped3A_24[%add3A_419] : memref<4096xf32, #tpu.memory_space<vmem>> -> memref<2048xf32, #tpu.memory_space<vmem>>
            %dma_wait3A_420 = tpu.memref_slice %arg2[%mul3A_413] : memref<2560000xf32, #tpu.memory_space<hbm>> -> memref<2048xf32, #tpu.memory_space<hbm>>
            %dma_wait3A_421 = tpu.memref_slice %run_scoped3A_25[%rem3A_415] : memref<2x!tpu.dma_semaphore, #tpu.memory_space<semaphore_mem>> -> memref<1x!tpu.dma_semaphore, #tpu.memory_space<semaphore_mem>>
            %dma_wait3A_422 = tpu.memref_squeeze %dma_wait3A_421 : memref<1x!tpu.dma_semaphore, #tpu.memory_space<semaphore_mem>> -> memref<!tpu.dma_semaphore, #tpu.memory_space<semaphore_mem>>
            %dma_wait3A_423 = tpu.memref_slice %run_scoped3A_24[%add3A_419] : memref<4096xf32, #tpu.memory_space<vmem>> -> memref<2048xf32, #tpu.memory_space<vmem>>
            %dma_wait3A_424 = tpu.memref_slice %arg2[%mul3A_413] : memref<2560000xf32, #tpu.memory_space<hbm>> -> memref<2048xf32, #tpu.memory_space<hbm>>
            tpu.wait_dma2 semaphore(%dma_wait3A_422 : memref<!tpu.dma_semaphore, #tpu.memory_space<semaphore_mem>>) src(%dma_wait3A_424 : memref<2048xf32, #tpu.memory_space<hbm>>) dst(%dma_wait3A_423 : memref<2048xf32, #tpu.memory_space<vmem>>)
            "tpu.trace_stop"() : () -> ()
          } else {
          }
          %ne3A_294 = arith.cmpi ne, %add3A_208, %add3A_218 : i32
          %or3A_295 = arith.constant false
          %or3A_296 = arith.ori %or3A_295, %ne3A_294 : i1
          %or3A_297 = arith.ori %or3A_296, %eq3A_204 : i1
          %convert_element_type3A_298 = arith.extui %or3A_297 : i1 to i32
          %cond3A_299 = arith.constant 0 : i32
          %cond3A_300 = arith.cmpi ne, %convert_element_type3A_298, %cond3A_299 : i32
          scf.if %cond3A_300 {
            "tpu.trace_start"() <{level = 10 : i32, message = "ep_wait_in"}> : () -> ()
            %mul3A_412 = arith.constant 2048 : i32
            %mul3A_413 = arith.muli %mul3A_412, %add3A_208 : i32
            %rem3A_414 = arith.constant 2 : i32
            %rem3A_415 = arith.remui %while3A_197, %rem3A_414 : i32
            %mul3A_416 = arith.constant 2048 : i32
            %mul3A_417 = arith.muli %rem3A_415, %mul3A_416 : i32
            %add3A_418 = arith.constant 0 : i32
            %add3A_419 = arith.addi %mul3A_417, %add3A_418 : i32
            %dma_wait3A = tpu.memref_slice %run_scoped3A_26[%add3A_419] : memref<4096xf32, #tpu.memory_space<vmem>> -> memref<2048xf32, #tpu.memory_space<vmem>>
            %dma_wait3A_420 = tpu.memref_slice %arg3[%mul3A_413] : memref<2560000xf32, #tpu.memory_space<hbm>> -> memref<2048xf32, #tpu.memory_space<hbm>>
            %dma_wait3A_421 = tpu.memref_slice %run_scoped3A_27[%rem3A_415] : memref<2x!tpu.dma_semaphore, #tpu.memory_space<semaphore_mem>> -> memref<1x!tpu.dma_semaphore, #tpu.memory_space<semaphore_mem>>
            %dma_wait3A_422 = tpu.memref_squeeze %dma_wait3A_421 : memref<1x!tpu.dma_semaphore, #tpu.memory_space<semaphore_mem>> -> memref<!tpu.dma_semaphore, #tpu.memory_space<semaphore_mem>>
            %dma_wait3A_423 = tpu.memref_slice %run_scoped3A_26[%add3A_419] : memref<4096xf32, #tpu.memory_space<vmem>> -> memref<2048xf32, #tpu.memory_space<vmem>>
            %dma_wait3A_424 = tpu.memref_slice %arg3[%mul3A_413] : memref<2560000xf32, #tpu.memory_space<hbm>> -> memref<2048xf32, #tpu.memory_space<hbm>>
            tpu.wait_dma2 semaphore(%dma_wait3A_422 : memref<!tpu.dma_semaphore, #tpu.memory_space<semaphore_mem>>) src(%dma_wait3A_424 : memref<2048xf32, #tpu.memory_space<hbm>>) dst(%dma_wait3A_423 : memref<2048xf32, #tpu.memory_space<vmem>>)
            "tpu.trace_stop"() : () -> ()
          } else {
          }
          %ne3A_301 = arith.cmpi ne, %add3A_208, %add3A_218 : i32
          %or3A_302 = arith.constant false
          %or3A_303 = arith.ori %or3A_302, %ne3A_301 : i1
          %or3A_304 = arith.ori %or3A_303, %eq3A_204 : i1
          %convert_element_type3A_305 = arith.extui %or3A_304 : i1 to i32
          %cond3A_306 = arith.constant 0 : i32
          %cond3A_307 = arith.cmpi ne, %convert_element_type3A_305, %cond3A_306 : i32
          scf.if %cond3A_307 {
            "tpu.trace_start"() <{level = 10 : i32, message = "ep_wait_in"}> : () -> ()
            %mul3A_412 = arith.constant 2048 : i32
            %mul3A_413 = arith.muli %mul3A_412, %add3A_208 : i32
            %rem3A_414 = arith.constant 2 : i32
            %rem3A_415 = arith.remui %while3A_199, %rem3A_414 : i32
            %mul3A_416 = arith.constant 2048 : i32
            %mul3A_417 = arith.muli %rem3A_415, %mul3A_416 : i32
            %add3A_418 = arith.constant 0 : i32
            %add3A_419 = arith.addi %mul3A_417, %add3A_418 : i32
            %dma_wait3A = tpu.memref_slice %run_scoped3A_28[%add3A_419] : memref<4096xi32, #tpu.memory_space<vmem>> -> memref<2048xi32, #tpu.memory_space<vmem>>
            %dma_wait3A_420 = tpu.memref_slice %arg4[%mul3A_413] : memref<2560000xi32, #tpu.memory_space<hbm>> -> memref<2048xi32, #tpu.memory_space<hbm>>
            %dma_wait3A_421 = tpu.memref_slice %run_scoped3A_29[%rem3A_415] : memref<2x!tpu.dma_semaphore, #tpu.memory_space<semaphore_mem>> -> memref<1x!tpu.dma_semaphore, #tpu.memory_space<semaphore_mem>>
            %dma_wait3A_422 = tpu.memref_squeeze %dma_wait3A_421 : memref<1x!tpu.dma_semaphore, #tpu.memory_space<semaphore_mem>> -> memref<!tpu.dma_semaphore, #tpu.memory_space<semaphore_mem>>
            %dma_wait3A_423 = tpu.memref_slice %run_scoped3A_28[%add3A_419] : memref<4096xi32, #tpu.memory_space<vmem>> -> memref<2048xi32, #tpu.memory_space<vmem>>
            %dma_wait3A_424 = tpu.memref_slice %arg4[%mul3A_413] : memref<2560000xi32, #tpu.memory_space<hbm>> -> memref<2048xi32, #tpu.memory_space<hbm>>
            tpu.wait_dma2 semaphore(%dma_wait3A_422 : memref<!tpu.dma_semaphore, #tpu.memory_space<semaphore_mem>>) src(%dma_wait3A_424 : memref<2048xi32, #tpu.memory_space<hbm>>) dst(%dma_wait3A_423 : memref<2048xi32, #tpu.memory_space<vmem>>)
            "tpu.trace_stop"() : () -> ()
          } else {
          }
          %rem3A_308 = arith.constant 2 : i32
          %rem3A_309 = arith.remui %while3A_195, %rem3A_308 : i32
          %mul3A_310 = arith.constant 2048 : i32
          %mul3A_311 = arith.muli %rem3A_309, %mul3A_310 : i32
          %rem3A_312 = arith.constant 2 : i32
          %rem3A_313 = arith.remui %while3A_197, %rem3A_312 : i32
          %mul3A_314 = arith.constant 2048 : i32
          %mul3A_315 = arith.muli %rem3A_313, %mul3A_314 : i32
          %rem3A_316 = arith.constant 2 : i32
          %rem3A_317 = arith.remui %while3A_199, %rem3A_316 : i32
          %mul3A_318 = arith.constant 2048 : i32
          %mul3A_319 = arith.muli %rem3A_317, %mul3A_318 : i32
          "tpu.trace_start"() <{level = 10 : i32, message = "ep_run_kernel"}> : () -> ()
          %scan3A = arith.constant 0 : i32
          %scan3A_320 = arith.constant 128 : i32
          %scan3A_321 = arith.addi %scan3A, %scan3A_320 : i32
          %scan3A_322 = arith.constant 1 : i32
          scf.for %scan3A_412 = %scan3A to %scan3A_321 step %scan3A_322  : i32 {
            %mul3A_413 = arith.constant 16 : i32
            %mul3A_414 = arith.muli %scan3A_412, %mul3A_413 : i32
            %add3A_415 = arith.constant 0 : i32
            %add3A_416 = arith.addi %add3A_415, %mul3A_414 : i32
            %get3A = tpu.memref_slice %run_scoped3A_24[%mul3A_311] : memref<4096xf32, #tpu.memory_space<vmem>> -> memref<2048xf32, #tpu.memory_space<vmem>>
            %get3A_417 = arith.index_cast %add3A_416 : i32 to index
            %get3A_418 = tpu.vector_load %get3A[%get3A_417] {strides = array<i32>} : memref<2048xf32, #tpu.memory_space<vmem>>, vector<16xf32>,
            %get3A_419 = vector.shape_cast %get3A_418 : vector<16xf32> to vector<16xf32>
            %get3A_420 = tpu.memref_slice %run_scoped3A_26[%mul3A_315] : memref<4096xf32, #tpu.memory_space<vmem>> -> memref<2048xf32, #tpu.memory_space<vmem>>
            %get3A_421 = arith.index_cast %add3A_416 : i32 to index
            %get3A_422 = tpu.vector_load %get3A_420[%get3A_421] {strides = array<i32>} : memref<2048xf32, #tpu.memory_space<vmem>>, vector<16xf32>,
            %get3A_423 = vector.shape_cast %get3A_422 : vector<16xf32> to vector<16xf32>
            %sub3A_424 = arith.subf %get3A_419, %get3A_423 : vector<16xf32>
            %abs3A = math.absf %sub3A_424 : vector<16xf32>
            %min3A = arith.constant 1.000000e+00 : f32
            %min3A_425 = vector.broadcast %min3A : f32 to vector<16xf32>
            %min3A_426 = arith.minimumf %abs3A, %min3A_425 : vector<16xf32>
            %mul3A_427 = arith.constant 5.000000e-01 : f32
            %mul3A_428 = vector.broadcast %mul3A_427 : f32 to vector<16xf32>
            %mul3A_429 = arith.mulf %mul3A_428, %min3A_426 : vector<16xf32>
            %sub3A_430 = arith.subf %abs3A, %mul3A_429 : vector<16xf32>
            %mul3A_431 = arith.mulf %min3A_426, %sub3A_430 : vector<16xf32>
            %get3A_432 = arith.constant 0 : index
            %get3A_433 = tpu.vector_load %arg6[%get3A_432] {strides = array<i32>} : memref<16xf32, #tpu.memory_space<vmem>>, vector<16xf32>,
            %get3A_434 = vector.shape_cast %get3A_433 : vector<16xf32> to vector<16xf32>
            %get3A_435 = tpu.memref_slice %run_scoped3A_28[%mul3A_319] : memref<4096xi32, #tpu.memory_space<vmem>> -> memref<2048xi32, #tpu.memory_space<vmem>>
            %get3A_436 = arith.index_cast %add3A_416 : i32 to index
            %get3A_437 = tpu.vector_load %get3A_435[%get3A_436] {strides = array<i32>} : memref<2048xi32, #tpu.memory_space<vmem>>, vector<16xi32>,
            %get3A_438 = vector.shape_cast %get3A_437 : vector<16xi32> to vector<16xi32>
            %gt3A_439 = arith.constant 0 : i32
            %gt3A_440 = vector.broadcast %gt3A_439 : i32 to vector<16xi32>
            %gt3A_441 = arith.cmpi sgt, %get3A_438, %gt3A_440 : vector<16xi32>
            %jit3A_442 = arith.constant 0.000000e+00 : f32
            %broadcast_in_dim3A_443 = vector.broadcast %jit3A_442 : f32 to vector<16xf32>
            %select_n3A_444 = arith.select %gt3A_441, %mul3A_431, %broadcast_in_dim3A_443 : vector<16xi1>, vector<16xf32>
            %add3A_445 = arith.addf %get3A_434, %select_n3A_444 : vector<16xf32>
            %swap3A_446 = arith.constant 0 : index
            %swap3A_447 = tpu.vector_load %arg6[%swap3A_446] {strides = array<i32>} : memref<16xf32, #tpu.memory_space<vmem>>, vector<16xf32>,
            %swap3A_448 = vector.shape_cast %swap3A_447 : vector<16xf32> to vector<16xf32>
            %swap3A_449 = vector.shape_cast %add3A_445 : vector<16xf32> to vector<16xf32>
            tpu.vector_store %arg6[%swap3A_446], %swap3A_449 {strides = array<i32>} : memref<16xf32, #tpu.memory_space<vmem>>, vector<16xf32>,
          }
          %scan3A_323 = arith.constant 128 : i32
          "tpu.trace_stop"() : () -> ()
          %ne3A_324 = arith.cmpi ne, %add3A_208, %add3A_226 : i32
          %or3A_325 = arith.constant false
          %or3A_326 = arith.ori %or3A_325, %ne3A_324 : i1
          %or3A_327 = arith.ori %or3A_326, %eq3A_207 : i1
          %convert_element_type3A_328 = arith.extui %or3A_327 : i1 to i32
          %cond3A_329 = arith.constant 0 : i32
          %cond3A_330 = arith.cmpi ne, %convert_element_type3A_328, %cond3A_329 : i32
          scf.if %cond3A_330 {
          } else {
          }
          %and3A_331 = arith.constant false
          %and3A_332 = arith.andi %or3A_327, %and3A_331 : i1
          %ne3A_333 = arith.cmpi ne, %add3A_208, %add3A_226 : i32
          %or3A_334 = arith.constant false
          %or3A_335 = arith.ori %or3A_334, %ne3A_333 : i1
          %or3A_336 = arith.ori %or3A_335, %eq3A_207 : i1
          %convert_element_type3A_337 = arith.extui %or3A_336 : i1 to i32
          %cond3A_338 = arith.constant 0 : i32
          %cond3A_339 = arith.cmpi ne, %convert_element_type3A_337, %cond3A_338 : i32
          scf.if %cond3A_339 {
          } else {
          }
          %and3A_340 = arith.constant false
          %and3A_341 = arith.andi %or3A_336, %and3A_340 : i1
          %ne3A_342 = arith.cmpi ne, %add3A_208, %add3A_226 : i32
          %or3A_343 = arith.constant false
          %or3A_344 = arith.ori %or3A_343, %ne3A_342 : i1
          %or3A_345 = arith.ori %or3A_344, %eq3A_207 : i1
          %convert_element_type3A_346 = arith.extui %or3A_345 : i1 to i32
          %cond3A_347 = arith.constant 0 : i32
          %cond3A_348 = arith.cmpi ne, %convert_element_type3A_346, %cond3A_347 : i32
          scf.if %cond3A_348 {
          } else {
          }
          %and3A_349 = arith.constant false
          %and3A_350 = arith.andi %or3A_345, %and3A_349 : i1
          %ne3A_351 = arith.cmpi ne, %add3A_208, %add3A_218 : i32
          %or3A_352 = arith.constant false
          %or3A_353 = arith.ori %or3A_352, %ne3A_351 : i1
          %not3A_354 = arith.constant true
          %not3A_355 = arith.xori %eq3A_204, %not3A_354 : i1
          %and3A_356 = arith.andi %or3A_353, %not3A_355 : i1
          %convert_element_type3A_357 = arith.extui %and3A_356 : i1 to i32
          %cond3A_358 = arith.constant 0 : i32
          %cond3A_359 = arith.cmpi ne, %convert_element_type3A_357, %cond3A_358 : i32
          scf.if %cond3A_359 {
          } else {
          }
          %and3A_360 = arith.constant false
          %and3A_361 = arith.andi %and3A_356, %and3A_360 : i1
          %ne3A_362 = arith.cmpi ne, %add3A_208, %add3A_218 : i32
          %or3A_363 = arith.constant false
          %or3A_364 = arith.ori %or3A_363, %ne3A_362 : i1
          %not3A_365 = arith.constant true
          %not3A_366 = arith.xori %eq3A_204, %not3A_365 : i1
          %and3A_367 = arith.andi %or3A_364, %not3A_366 : i1
          %convert_element_type3A_368 = arith.extui %and3A_367 : i1 to i32
          %cond3A_369 = arith.constant 0 : i32
          %cond3A_370 = arith.cmpi ne, %convert_element_type3A_368, %cond3A_369 : i32
          scf.if %cond3A_370 {
          } else {
          }
          %and3A_371 = arith.constant false
          %and3A_372 = arith.andi %and3A_367, %and3A_371 : i1
          %ne3A_373 = arith.cmpi ne, %add3A_208, %add3A_218 : i32
          %or3A_374 = arith.constant false
          %or3A_375 = arith.ori %or3A_374, %ne3A_373 : i1
          %not3A_376 = arith.constant true
          %not3A_377 = arith.xori %eq3A_204, %not3A_376 : i1
          %and3A_378 = arith.andi %or3A_375, %not3A_377 : i1
          %convert_element_type3A_379 = arith.extui %and3A_378 : i1 to i32
          %cond3A_380 = arith.constant 0 : i32
          %cond3A_381 = arith.cmpi ne, %convert_element_type3A_379, %cond3A_380 : i32
          scf.if %cond3A_381 {
          } else {
          }
          %and3A_382 = arith.constant false
          %and3A_383 = arith.andi %and3A_378, %and3A_382 : i1
          %ne3A_384 = arith.cmpi ne, %add3A_208, %add3A_226 : i32
          %or3A_385 = arith.constant false
          %or3A_386 = arith.ori %or3A_385, %ne3A_384 : i1
          %or3A_387 = arith.ori %or3A_386, %eq3A_207 : i1
          %add3A_388 = arith.constant 1 : i32
          %add3A_389 = arith.addi %while3A_195, %add3A_388 : i32
          %select_n3A_390 = arith.select %or3A_387, %add3A_389, %while3A_195 : i32
          %ne3A_391 = arith.cmpi ne, %add3A_208, %add3A_226 : i32
          %or3A_392 = arith.constant false
          %or3A_393 = arith.ori %or3A_392, %ne3A_391 : i1
          %or3A_394 = arith.ori %or3A_393, %eq3A_207 : i1
          %add3A_395 = arith.constant 1 : i32
          %add3A_396 = arith.addi %while3A_197, %add3A_395 : i32
          %select_n3A_397 = arith.select %or3A_394, %add3A_396, %while3A_197 : i32
          %ne3A_398 = arith.cmpi ne, %add3A_208, %add3A_226 : i32
          %or3A_399 = arith.constant false
          %or3A_400 = arith.ori %or3A_399, %ne3A_398 : i1
          %or3A_401 = arith.ori %or3A_400, %eq3A_207 : i1
          %add3A_402 = arith.constant 1 : i32
          %add3A_403 = arith.addi %while3A_199, %add3A_402 : i32
          %select_n3A_404 = arith.select %or3A_401, %add3A_403, %while3A_199 : i32
          %add3A_405 = arith.constant 1 : i32
          %add3A_406 = arith.addi %while3A_200, %add3A_405 : i32
          %select_n3A_407 = arith.constant true
          %select_n3A_408 = arith.select %select_n3A_407, %add3A_406, %while3A_200 : i32
          %eq3A_409 = arith.cmpi eq, %select_n3A_408, %select_n3A : i32
          %select_n3A_410 = arith.constant 0 : i32
          %select_n3A_411 = arith.select %eq3A_409, %select_n3A_410, %select_n3A_408 : i32
          scf.yield %select_n3A_248, %select_n3A_390, %select_n3A_267, %select_n3A_397, %select_n3A_286, %select_n3A_404, %select_n3A_411 : i32, i32, i32, i32, i32, i32, i32
        }
        %while3A_137 = arith.constant 1 : i32
        %while3A_138:7 = scf.for %while3A_193 = %while3A_134 to %while3A_130 step %while3A_137 iter_args(%while3A_194 = %while3A_136#0, %while3A_195 = %while3A_136#1, %while3A_196 = %while3A_136#2, %while3A_197 = %while3A_136#3, %while3A_198 = %while3A_136#4, %while3A_199 = %while3A_136#5, %while3A_200 = %while3A_136#6) -> (i32, i32, i32, i32, i32, i32, i32)  : i32 {
          %mul3A_201 = arith.constant 1 : i32
          %mul3A_202 = arith.muli %mul3A_201, %select_n3A : i32
          %eq3A_203 = arith.constant 0 : i32
          %eq3A_204 = arith.cmpi eq, %while3A_193, %eq3A_203 : i32
          %sub3A_205 = arith.constant 1 : i32
          %sub3A_206 = arith.subi %mul3A_202, %sub3A_205 : i32
          %eq3A_207 = arith.cmpi eq, %while3A_193, %sub3A_206 : i32
          %add3A_208 = arith.addi %while3A_200, %select_n3A_18 : i32
          %sub3A_209 = arith.constant 1 : i32
          %sub3A_210 = arith.subi %while3A_200, %sub3A_209 : i32
          %select_n3A_211 = arith.constant true
          %select_n3A_212 = arith.select %select_n3A_211, %sub3A_210, %while3A_200 : i32
          %eq3A_213 = arith.constant -1 : i32
          %eq3A_214 = arith.cmpi eq, %select_n3A_212, %eq3A_213 : i32
          %sub3A_215 = arith.constant 1 : i32
          %sub3A_216 = arith.subi %select_n3A, %sub3A_215 : i32
          %select_n3A_217 = arith.select %eq3A_214, %sub3A_216, %select_n3A_212 : i32
          %add3A_218 = arith.addi %select_n3A_217, %select_n3A_18 : i32
          %add3A_219 = arith.constant 1 : i32
          %add3A_220 = arith.addi %while3A_200, %add3A_219 : i32
          %select_n3A_221 = arith.constant true
          %select_n3A_222 = arith.select %select_n3A_221, %add3A_220, %while3A_200 : i32
          %eq3A_223 = arith.cmpi eq, %select_n3A_222, %select_n3A : i32
          %select_n3A_224 = arith.constant 0 : i32
          %select_n3A_225 = arith.select %eq3A_223, %select_n3A_224, %select_n3A_222 : i32
          %add3A_226 = arith.addi %select_n3A_225, %select_n3A_18 : i32
          %add3A_227 = arith.constant 1 : i32
          %add3A_228 = arith.addi %select_n3A_225, %add3A_227 : i32
          %select_n3A_229 = arith.constant true
          %select_n3A_230 = arith.select %select_n3A_229, %add3A_228, %select_n3A_225 : i32
          %eq3A_231 = arith.cmpi eq, %select_n3A_230, %select_n3A : i32
          %select_n3A_232 = arith.constant 0 : i32
          %select_n3A_233 = arith.select %eq3A_231, %select_n3A_232, %select_n3A_230 : i32
          %add3A_234 = arith.addi %select_n3A_233, %select_n3A_18 : i32
          %ne3A = arith.cmpi ne, %add3A_208, %add3A_226 : i32
          %or3A = arith.constant false
          %or3A_235 = arith.ori %or3A, %ne3A : i1
          %sub3A_236 = arith.constant 2 : i32
          %sub3A_237 = arith.subi %mul3A_202, %sub3A_236 : i32
          %add3A_238 = arith.constant 1 : i32
          %add3A_239 = arith.addi %sub3A_237, %add3A_238 : i32
          %ge3A = arith.cmpi sge, %while3A_193, %add3A_239 : i32
          %not3A = arith.constant true
          %not3A_240 = arith.xori %ge3A, %not3A : i1
          %and3A = arith.andi %or3A_235, %not3A_240 : i1
          %convert_element_type3A_241 = arith.extui %and3A : i1 to i32
          %cond3A_242 = arith.constant 0 : i32
          %cond3A_243 = arith.cmpi ne, %convert_element_type3A_241, %cond3A_242 : i32
          scf.if %cond3A_243 {
            "tpu.trace_start"() <{level = 10 : i32, message = "ep_copy_in"}> : () -> ()
            %rem3A_412 = arith.constant 2 : i32
            %rem3A_413 = arith.remui %while3A_194, %rem3A_412 : i32
            %mul3A_414 = arith.constant 2048 : i32
            %mul3A_415 = arith.muli %mul3A_414, %add3A_226 : i32
            %mul3A_416 = arith.constant 2048 : i32
            %mul3A_417 = arith.muli %rem3A_413, %mul3A_416 : i32
            %add3A_418 = arith.constant 0 : i32
            %add3A_419 = arith.addi %mul3A_417, %add3A_418 : i32
            %dma_start3A_420 = tpu.memref_slice %run_scoped3A_24[%add3A_419] : memref<4096xf32, #tpu.memory_space<vmem>> -> memref<2048xf32, #tpu.memory_space<vmem>>
            %dma_start3A_421 = tpu.memref_slice %arg2[%mul3A_415] : memref<2560000xf32, #tpu.memory_space<hbm>> -> memref<2048xf32, #tpu.memory_space<hbm>>
            %dma_start3A_422 = tpu.memref_slice %run_scoped3A_25[%rem3A_413] : memref<2x!tpu.dma_semaphore, #tpu.memory_space<semaphore_mem>> -> memref<1x!tpu.dma_semaphore, #tpu.memory_space<semaphore_mem>>
            %dma_start3A_423 = tpu.memref_squeeze %dma_start3A_422 : memref<1x!tpu.dma_semaphore, #tpu.memory_space<semaphore_mem>> -> memref<!tpu.dma_semaphore, #tpu.memory_space<semaphore_mem>>
            %dma_start3A_424 = tpu.memref_slice %run_scoped3A_24[%add3A_419] : memref<4096xf32, #tpu.memory_space<vmem>> -> memref<2048xf32, #tpu.memory_space<vmem>>
            %dma_start3A_425 = tpu.memref_slice %arg2[%mul3A_415] : memref<2560000xf32, #tpu.memory_space<hbm>> -> memref<2048xf32, #tpu.memory_space<hbm>>
            tpu.enqueue_dma source(%dma_start3A_425 : memref<2048xf32, #tpu.memory_space<hbm>>) target(%dma_start3A_424 : memref<2048xf32, #tpu.memory_space<vmem>>) target_semaphore(%dma_start3A_423 : memref<!tpu.dma_semaphore, #tpu.memory_space<semaphore_mem>>)
            "tpu.trace_stop"() : () -> ()
          } else {
          }
          %and3A_244 = arith.constant true
          %and3A_245 = arith.andi %and3A, %and3A_244 : i1
          %add3A_246 = arith.constant 1 : i32
          %add3A_247 = arith.addi %while3A_194, %add3A_246 : i32
          %select_n3A_248 = arith.select %and3A_245, %add3A_247, %while3A_194 : i32
          %ne3A_249 = arith.cmpi ne, %add3A_208, %add3A_226 : i32
          %or3A_250 = arith.constant false
          %or3A_251 = arith.ori %or3A_250, %ne3A_249 : i1
          %sub3A_252 = arith.constant 2 : i32
          %sub3A_253 = arith.subi %mul3A_202, %sub3A_252 : i32
          %add3A_254 = arith.constant 1 : i32
          %add3A_255 = arith.addi %sub3A_253, %add3A_254 : i32
          %ge3A_256 = arith.cmpi sge, %while3A_193, %add3A_255 : i32
          %not3A_257 = arith.constant true
          %not3A_258 = arith.xori %ge3A_256, %not3A_257 : i1
          %and3A_259 = arith.andi %or3A_251, %not3A_258 : i1
          %convert_element_type3A_260 = arith.extui %and3A_259 : i1 to i32
          %cond3A_261 = arith.constant 0 : i32
          %cond3A_262 = arith.cmpi ne, %convert_element_type3A_260, %cond3A_261 : i32
          scf.if %cond3A_262 {
            "tpu.trace_start"() <{level = 10 : i32, message = "ep_copy_in"}> : () -> ()
            %rem3A_412 = arith.constant 2 : i32
            %rem3A_413 = arith.remui %while3A_196, %rem3A_412 : i32
            %mul3A_414 = arith.constant 2048 : i32
            %mul3A_415 = arith.muli %mul3A_414, %add3A_226 : i32
            %mul3A_416 = arith.constant 2048 : i32
            %mul3A_417 = arith.muli %rem3A_413, %mul3A_416 : i32
            %add3A_418 = arith.constant 0 : i32
            %add3A_419 = arith.addi %mul3A_417, %add3A_418 : i32
            %dma_start3A_420 = tpu.memref_slice %run_scoped3A_26[%add3A_419] : memref<4096xf32, #tpu.memory_space<vmem>> -> memref<2048xf32, #tpu.memory_space<vmem>>
            %dma_start3A_421 = tpu.memref_slice %arg3[%mul3A_415] : memref<2560000xf32, #tpu.memory_space<hbm>> -> memref<2048xf32, #tpu.memory_space<hbm>>
            %dma_start3A_422 = tpu.memref_slice %run_scoped3A_27[%rem3A_413] : memref<2x!tpu.dma_semaphore, #tpu.memory_space<semaphore_mem>> -> memref<1x!tpu.dma_semaphore, #tpu.memory_space<semaphore_mem>>
            %dma_start3A_423 = tpu.memref_squeeze %dma_start3A_422 : memref<1x!tpu.dma_semaphore, #tpu.memory_space<semaphore_mem>> -> memref<!tpu.dma_semaphore, #tpu.memory_space<semaphore_mem>>
            %dma_start3A_424 = tpu.memref_slice %run_scoped3A_26[%add3A_419] : memref<4096xf32, #tpu.memory_space<vmem>> -> memref<2048xf32, #tpu.memory_space<vmem>>
            %dma_start3A_425 = tpu.memref_slice %arg3[%mul3A_415] : memref<2560000xf32, #tpu.memory_space<hbm>> -> memref<2048xf32, #tpu.memory_space<hbm>>
            tpu.enqueue_dma source(%dma_start3A_425 : memref<2048xf32, #tpu.memory_space<hbm>>) target(%dma_start3A_424 : memref<2048xf32, #tpu.memory_space<vmem>>) target_semaphore(%dma_start3A_423 : memref<!tpu.dma_semaphore, #tpu.memory_space<semaphore_mem>>)
            "tpu.trace_stop"() : () -> ()
          } else {
          }
          %and3A_263 = arith.constant true
          %and3A_264 = arith.andi %and3A_259, %and3A_263 : i1
          %add3A_265 = arith.constant 1 : i32
          %add3A_266 = arith.addi %while3A_196, %add3A_265 : i32
          %select_n3A_267 = arith.select %and3A_264, %add3A_266, %while3A_196 : i32
          %ne3A_268 = arith.cmpi ne, %add3A_208, %add3A_226 : i32
          %or3A_269 = arith.constant false
          %or3A_270 = arith.ori %or3A_269, %ne3A_268 : i1
          %sub3A_271 = arith.constant 2 : i32
          %sub3A_272 = arith.subi %mul3A_202, %sub3A_271 : i32
          %add3A_273 = arith.constant 1 : i32
          %add3A_274 = arith.addi %sub3A_272, %add3A_273 : i32
          %ge3A_275 = arith.cmpi sge, %while3A_193, %add3A_274 : i32
          %not3A_276 = arith.constant true
          %not3A_277 = arith.xori %ge3A_275, %not3A_276 : i1
          %and3A_278 = arith.andi %or3A_270, %not3A_277 : i1
          %convert_element_type3A_279 = arith.extui %and3A_278 : i1 to i32
          %cond3A_280 = arith.constant 0 : i32
          %cond3A_281 = arith.cmpi ne, %convert_element_type3A_279, %cond3A_280 : i32
          scf.if %cond3A_281 {
            "tpu.trace_start"() <{level = 10 : i32, message = "ep_copy_in"}> : () -> ()
            %rem3A_412 = arith.constant 2 : i32
            %rem3A_413 = arith.remui %while3A_198, %rem3A_412 : i32
            %mul3A_414 = arith.constant 2048 : i32
            %mul3A_415 = arith.muli %mul3A_414, %add3A_226 : i32
            %mul3A_416 = arith.constant 2048 : i32
            %mul3A_417 = arith.muli %rem3A_413, %mul3A_416 : i32
            %add3A_418 = arith.constant 0 : i32
            %add3A_419 = arith.addi %mul3A_417, %add3A_418 : i32
            %dma_start3A_420 = tpu.memref_slice %run_scoped3A_28[%add3A_419] : memref<4096xi32, #tpu.memory_space<vmem>> -> memref<2048xi32, #tpu.memory_space<vmem>>
            %dma_start3A_421 = tpu.memref_slice %arg4[%mul3A_415] : memref<2560000xi32, #tpu.memory_space<hbm>> -> memref<2048xi32, #tpu.memory_space<hbm>>
            %dma_start3A_422 = tpu.memref_slice %run_scoped3A_29[%rem3A_413] : memref<2x!tpu.dma_semaphore, #tpu.memory_space<semaphore_mem>> -> memref<1x!tpu.dma_semaphore, #tpu.memory_space<semaphore_mem>>
            %dma_start3A_423 = tpu.memref_squeeze %dma_start3A_422 : memref<1x!tpu.dma_semaphore, #tpu.memory_space<semaphore_mem>> -> memref<!tpu.dma_semaphore, #tpu.memory_space<semaphore_mem>>
            %dma_start3A_424 = tpu.memref_slice %run_scoped3A_28[%add3A_419] : memref<4096xi32, #tpu.memory_space<vmem>> -> memref<2048xi32, #tpu.memory_space<vmem>>
            %dma_start3A_425 = tpu.memref_slice %arg4[%mul3A_415] : memref<2560000xi32, #tpu.memory_space<hbm>> -> memref<2048xi32, #tpu.memory_space<hbm>>
            tpu.enqueue_dma source(%dma_start3A_425 : memref<2048xi32, #tpu.memory_space<hbm>>) target(%dma_start3A_424 : memref<2048xi32, #tpu.memory_space<vmem>>) target_semaphore(%dma_start3A_423 : memref<!tpu.dma_semaphore, #tpu.memory_space<semaphore_mem>>)
            "tpu.trace_stop"() : () -> ()
          } else {
          }
          %and3A_282 = arith.constant true
          %and3A_283 = arith.andi %and3A_278, %and3A_282 : i1
          %add3A_284 = arith.constant 1 : i32
          %add3A_285 = arith.addi %while3A_198, %add3A_284 : i32
          %select_n3A_286 = arith.select %and3A_283, %add3A_285, %while3A_198 : i32
          %ne3A_287 = arith.cmpi ne, %add3A_208, %add3A_218 : i32
          %or3A_288 = arith.constant false
          %or3A_289 = arith.ori %or3A_288, %ne3A_287 : i1
          %or3A_290 = arith.ori %or3A_289, %eq3A_204 : i1
          %convert_element_type3A_291 = arith.extui %or3A_290 : i1 to i32
          %cond3A_292 = arith.constant 0 : i32
          %cond3A_293 = arith.cmpi ne, %convert_element_type3A_291, %cond3A_292 : i32
          scf.if %cond3A_293 {
            "tpu.trace_start"() <{level = 10 : i32, message = "ep_wait_in"}> : () -> ()
            %mul3A_412 = arith.constant 2048 : i32
            %mul3A_413 = arith.muli %mul3A_412, %add3A_208 : i32
            %rem3A_414 = arith.constant 2 : i32
            %rem3A_415 = arith.remui %while3A_195, %rem3A_414 : i32
            %mul3A_416 = arith.constant 2048 : i32
            %mul3A_417 = arith.muli %rem3A_415, %mul3A_416 : i32
            %add3A_418 = arith.constant 0 : i32
            %add3A_419 = arith.addi %mul3A_417, %add3A_418 : i32
            %dma_wait3A = tpu.memref_slice %run_scoped3A_24[%add3A_419] : memref<4096xf32, #tpu.memory_space<vmem>> -> memref<2048xf32, #tpu.memory_space<vmem>>
            %dma_wait3A_420 = tpu.memref_slice %arg2[%mul3A_413] : memref<2560000xf32, #tpu.memory_space<hbm>> -> memref<2048xf32, #tpu.memory_space<hbm>>
            %dma_wait3A_421 = tpu.memref_slice %run_scoped3A_25[%rem3A_415] : memref<2x!tpu.dma_semaphore, #tpu.memory_space<semaphore_mem>> -> memref<1x!tpu.dma_semaphore, #tpu.memory_space<semaphore_mem>>
            %dma_wait3A_422 = tpu.memref_squeeze %dma_wait3A_421 : memref<1x!tpu.dma_semaphore, #tpu.memory_space<semaphore_mem>> -> memref<!tpu.dma_semaphore, #tpu.memory_space<semaphore_mem>>
            %dma_wait3A_423 = tpu.memref_slice %run_scoped3A_24[%add3A_419] : memref<4096xf32, #tpu.memory_space<vmem>> -> memref<2048xf32, #tpu.memory_space<vmem>>
            %dma_wait3A_424 = tpu.memref_slice %arg2[%mul3A_413] : memref<2560000xf32, #tpu.memory_space<hbm>> -> memref<2048xf32, #tpu.memory_space<hbm>>
            tpu.wait_dma2 semaphore(%dma_wait3A_422 : memref<!tpu.dma_semaphore, #tpu.memory_space<semaphore_mem>>) src(%dma_wait3A_424 : memref<2048xf32, #tpu.memory_space<hbm>>) dst(%dma_wait3A_423 : memref<2048xf32, #tpu.memory_space<vmem>>)
            "tpu.trace_stop"() : () -> ()
          } else {
          }
          %ne3A_294 = arith.cmpi ne, %add3A_208, %add3A_218 : i32
          %or3A_295 = arith.constant false
          %or3A_296 = arith.ori %or3A_295, %ne3A_294 : i1
          %or3A_297 = arith.ori %or3A_296, %eq3A_204 : i1
          %convert_element_type3A_298 = arith.extui %or3A_297 : i1 to i32
          %cond3A_299 = arith.constant 0 : i32
          %cond3A_300 = arith.cmpi ne, %convert_element_type3A_298, %cond3A_299 : i32
          scf.if %cond3A_300 {
            "tpu.trace_start"() <{level = 10 : i32, message = "ep_wait_in"}> : () -> ()
            %mul3A_412 = arith.constant 2048 : i32
            %mul3A_413 = arith.muli %mul3A_412, %add3A_208 : i32
            %rem3A_414 = arith.constant 2 : i32
            %rem3A_415 = arith.remui %while3A_197, %rem3A_414 : i32
            %mul3A_416 = arith.constant 2048 : i32
            %mul3A_417 = arith.muli %rem3A_415, %mul3A_416 : i32
            %add3A_418 = arith.constant 0 : i32
            %add3A_419 = arith.addi %mul3A_417, %add3A_418 : i32
            %dma_wait3A = tpu.memref_slice %run_scoped3A_26[%add3A_419] : memref<4096xf32, #tpu.memory_space<vmem>> -> memref<2048xf32, #tpu.memory_space<vmem>>
            %dma_wait3A_420 = tpu.memref_slice %arg3[%mul3A_413] : memref<2560000xf32, #tpu.memory_space<hbm>> -> memref<2048xf32, #tpu.memory_space<hbm>>
            %dma_wait3A_421 = tpu.memref_slice %run_scoped3A_27[%rem3A_415] : memref<2x!tpu.dma_semaphore, #tpu.memory_space<semaphore_mem>> -> memref<1x!tpu.dma_semaphore, #tpu.memory_space<semaphore_mem>>
            %dma_wait3A_422 = tpu.memref_squeeze %dma_wait3A_421 : memref<1x!tpu.dma_semaphore, #tpu.memory_space<semaphore_mem>> -> memref<!tpu.dma_semaphore, #tpu.memory_space<semaphore_mem>>
            %dma_wait3A_423 = tpu.memref_slice %run_scoped3A_26[%add3A_419] : memref<4096xf32, #tpu.memory_space<vmem>> -> memref<2048xf32, #tpu.memory_space<vmem>>
            %dma_wait3A_424 = tpu.memref_slice %arg3[%mul3A_413] : memref<2560000xf32, #tpu.memory_space<hbm>> -> memref<2048xf32, #tpu.memory_space<hbm>>
            tpu.wait_dma2 semaphore(%dma_wait3A_422 : memref<!tpu.dma_semaphore, #tpu.memory_space<semaphore_mem>>) src(%dma_wait3A_424 : memref<2048xf32, #tpu.memory_space<hbm>>) dst(%dma_wait3A_423 : memref<2048xf32, #tpu.memory_space<vmem>>)
            "tpu.trace_stop"() : () -> ()
          } else {
          }
          %ne3A_301 = arith.cmpi ne, %add3A_208, %add3A_218 : i32
          %or3A_302 = arith.constant false
          %or3A_303 = arith.ori %or3A_302, %ne3A_301 : i1
          %or3A_304 = arith.ori %or3A_303, %eq3A_204 : i1
          %convert_element_type3A_305 = arith.extui %or3A_304 : i1 to i32
          %cond3A_306 = arith.constant 0 : i32
          %cond3A_307 = arith.cmpi ne, %convert_element_type3A_305, %cond3A_306 : i32
          scf.if %cond3A_307 {
            "tpu.trace_start"() <{level = 10 : i32, message = "ep_wait_in"}> : () -> ()
            %mul3A_412 = arith.constant 2048 : i32
            %mul3A_413 = arith.muli %mul3A_412, %add3A_208 : i32
            %rem3A_414 = arith.constant 2 : i32
            %rem3A_415 = arith.remui %while3A_199, %rem3A_414 : i32
            %mul3A_416 = arith.constant 2048 : i32
            %mul3A_417 = arith.muli %rem3A_415, %mul3A_416 : i32
            %add3A_418 = arith.constant 0 : i32
            %add3A_419 = arith.addi %mul3A_417, %add3A_418 : i32
            %dma_wait3A = tpu.memref_slice %run_scoped3A_28[%add3A_419] : memref<4096xi32, #tpu.memory_space<vmem>> -> memref<2048xi32, #tpu.memory_space<vmem>>
            %dma_wait3A_420 = tpu.memref_slice %arg4[%mul3A_413] : memref<2560000xi32, #tpu.memory_space<hbm>> -> memref<2048xi32, #tpu.memory_space<hbm>>
            %dma_wait3A_421 = tpu.memref_slice %run_scoped3A_29[%rem3A_415] : memref<2x!tpu.dma_semaphore, #tpu.memory_space<semaphore_mem>> -> memref<1x!tpu.dma_semaphore, #tpu.memory_space<semaphore_mem>>
            %dma_wait3A_422 = tpu.memref_squeeze %dma_wait3A_421 : memref<1x!tpu.dma_semaphore, #tpu.memory_space<semaphore_mem>> -> memref<!tpu.dma_semaphore, #tpu.memory_space<semaphore_mem>>
            %dma_wait3A_423 = tpu.memref_slice %run_scoped3A_28[%add3A_419] : memref<4096xi32, #tpu.memory_space<vmem>> -> memref<2048xi32, #tpu.memory_space<vmem>>
            %dma_wait3A_424 = tpu.memref_slice %arg4[%mul3A_413] : memref<2560000xi32, #tpu.memory_space<hbm>> -> memref<2048xi32, #tpu.memory_space<hbm>>
            tpu.wait_dma2 semaphore(%dma_wait3A_422 : memref<!tpu.dma_semaphore, #tpu.memory_space<semaphore_mem>>) src(%dma_wait3A_424 : memref<2048xi32, #tpu.memory_space<hbm>>) dst(%dma_wait3A_423 : memref<2048xi32, #tpu.memory_space<vmem>>)
            "tpu.trace_stop"() : () -> ()
          } else {
          }
          %rem3A_308 = arith.constant 2 : i32
          %rem3A_309 = arith.remui %while3A_195, %rem3A_308 : i32
          %mul3A_310 = arith.constant 2048 : i32
          %mul3A_311 = arith.muli %rem3A_309, %mul3A_310 : i32
          %rem3A_312 = arith.constant 2 : i32
          %rem3A_313 = arith.remui %while3A_197, %rem3A_312 : i32
          %mul3A_314 = arith.constant 2048 : i32
          %mul3A_315 = arith.muli %rem3A_313, %mul3A_314 : i32
          %rem3A_316 = arith.constant 2 : i32
          %rem3A_317 = arith.remui %while3A_199, %rem3A_316 : i32
          %mul3A_318 = arith.constant 2048 : i32
          %mul3A_319 = arith.muli %rem3A_317, %mul3A_318 : i32
          "tpu.trace_start"() <{level = 10 : i32, message = "ep_run_kernel"}> : () -> ()
          %scan3A = arith.constant 0 : i32
          %scan3A_320 = arith.constant 128 : i32
          %scan3A_321 = arith.addi %scan3A, %scan3A_320 : i32
          %scan3A_322 = arith.constant 1 : i32
          scf.for %scan3A_412 = %scan3A to %scan3A_321 step %scan3A_322  : i32 {
            %mul3A_413 = arith.constant 16 : i32
            %mul3A_414 = arith.muli %scan3A_412, %mul3A_413 : i32
            %add3A_415 = arith.constant 0 : i32
            %add3A_416 = arith.addi %add3A_415, %mul3A_414 : i32
            %get3A = tpu.memref_slice %run_scoped3A_24[%mul3A_311] : memref<4096xf32, #tpu.memory_space<vmem>> -> memref<2048xf32, #tpu.memory_space<vmem>>
            %get3A_417 = arith.index_cast %add3A_416 : i32 to index
            %get3A_418 = tpu.vector_load %get3A[%get3A_417] {strides = array<i32>} : memref<2048xf32, #tpu.memory_space<vmem>>, vector<16xf32>,
            %get3A_419 = vector.shape_cast %get3A_418 : vector<16xf32> to vector<16xf32>
            %get3A_420 = tpu.memref_slice %run_scoped3A_26[%mul3A_315] : memref<4096xf32, #tpu.memory_space<vmem>> -> memref<2048xf32, #tpu.memory_space<vmem>>
            %get3A_421 = arith.index_cast %add3A_416 : i32 to index
            %get3A_422 = tpu.vector_load %get3A_420[%get3A_421] {strides = array<i32>} : memref<2048xf32, #tpu.memory_space<vmem>>, vector<16xf32>,
            %get3A_423 = vector.shape_cast %get3A_422 : vector<16xf32> to vector<16xf32>
            %sub3A_424 = arith.subf %get3A_419, %get3A_423 : vector<16xf32>
            %abs3A = math.absf %sub3A_424 : vector<16xf32>
            %min3A = arith.constant 1.000000e+00 : f32
            %min3A_425 = vector.broadcast %min3A : f32 to vector<16xf32>
            %min3A_426 = arith.minimumf %abs3A, %min3A_425 : vector<16xf32>
            %mul3A_427 = arith.constant 5.000000e-01 : f32
            %mul3A_428 = vector.broadcast %mul3A_427 : f32 to vector<16xf32>
            %mul3A_429 = arith.mulf %mul3A_428, %min3A_426 : vector<16xf32>
            %sub3A_430 = arith.subf %abs3A, %mul3A_429 : vector<16xf32>
            %mul3A_431 = arith.mulf %min3A_426, %sub3A_430 : vector<16xf32>
            %get3A_432 = arith.constant 0 : index
            %get3A_433 = tpu.vector_load %arg6[%get3A_432] {strides = array<i32>} : memref<16xf32, #tpu.memory_space<vmem>>, vector<16xf32>,
            %get3A_434 = vector.shape_cast %get3A_433 : vector<16xf32> to vector<16xf32>
            %get3A_435 = tpu.memref_slice %run_scoped3A_28[%mul3A_319] : memref<4096xi32, #tpu.memory_space<vmem>> -> memref<2048xi32, #tpu.memory_space<vmem>>
            %get3A_436 = arith.index_cast %add3A_416 : i32 to index
            %get3A_437 = tpu.vector_load %get3A_435[%get3A_436] {strides = array<i32>} : memref<2048xi32, #tpu.memory_space<vmem>>, vector<16xi32>,
            %get3A_438 = vector.shape_cast %get3A_437 : vector<16xi32> to vector<16xi32>
            %gt3A_439 = arith.constant 0 : i32
            %gt3A_440 = vector.broadcast %gt3A_439 : i32 to vector<16xi32>
            %gt3A_441 = arith.cmpi sgt, %get3A_438, %gt3A_440 : vector<16xi32>
            %jit3A_442 = arith.constant 0.000000e+00 : f32
            %broadcast_in_dim3A_443 = vector.broadcast %jit3A_442 : f32 to vector<16xf32>
            %select_n3A_444 = arith.select %gt3A_441, %mul3A_431, %broadcast_in_dim3A_443 : vector<16xi1>, vector<16xf32>
            %add3A_445 = arith.addf %get3A_434, %select_n3A_444 : vector<16xf32>
            %swap3A_446 = arith.constant 0 : index
            %swap3A_447 = tpu.vector_load %arg6[%swap3A_446] {strides = array<i32>} : memref<16xf32, #tpu.memory_space<vmem>>, vector<16xf32>,
            %swap3A_448 = vector.shape_cast %swap3A_447 : vector<16xf32> to vector<16xf32>
            %swap3A_449 = vector.shape_cast %add3A_445 : vector<16xf32> to vector<16xf32>
            tpu.vector_store %arg6[%swap3A_446], %swap3A_449 {strides = array<i32>} : memref<16xf32, #tpu.memory_space<vmem>>, vector<16xf32>,
          }
          %scan3A_323 = arith.constant 128 : i32
          "tpu.trace_stop"() : () -> ()
          %ne3A_324 = arith.cmpi ne, %add3A_208, %add3A_226 : i32
          %or3A_325 = arith.constant false
          %or3A_326 = arith.ori %or3A_325, %ne3A_324 : i1
          %or3A_327 = arith.ori %or3A_326, %eq3A_207 : i1
          %convert_element_type3A_328 = arith.extui %or3A_327 : i1 to i32
          %cond3A_329 = arith.constant 0 : i32
          %cond3A_330 = arith.cmpi ne, %convert_element_type3A_328, %cond3A_329 : i32
          scf.if %cond3A_330 {
          } else {
          }
          %and3A_331 = arith.constant false
          %and3A_332 = arith.andi %or3A_327, %and3A_331 : i1
          %ne3A_333 = arith.cmpi ne, %add3A_208, %add3A_226 : i32
          %or3A_334 = arith.constant false
          %or3A_335 = arith.ori %or3A_334, %ne3A_333 : i1
          %or3A_336 = arith.ori %or3A_335, %eq3A_207 : i1
          %convert_element_type3A_337 = arith.extui %or3A_336 : i1 to i32
          %cond3A_338 = arith.constant 0 : i32
          %cond3A_339 = arith.cmpi ne, %convert_element_type3A_337, %cond3A_338 : i32
          scf.if %cond3A_339 {
          } else {
          }
          %and3A_340 = arith.constant false
          %and3A_341 = arith.andi %or3A_336, %and3A_340 : i1
          %ne3A_342 = arith.cmpi ne, %add3A_208, %add3A_226 : i32
          %or3A_343 = arith.constant false
          %or3A_344 = arith.ori %or3A_343, %ne3A_342 : i1
          %or3A_345 = arith.ori %or3A_344, %eq3A_207 : i1
          %convert_element_type3A_346 = arith.extui %or3A_345 : i1 to i32
          %cond3A_347 = arith.constant 0 : i32
          %cond3A_348 = arith.cmpi ne, %convert_element_type3A_346, %cond3A_347 : i32
          scf.if %cond3A_348 {
          } else {
          }
          %and3A_349 = arith.constant false
          %and3A_350 = arith.andi %or3A_345, %and3A_349 : i1
          %ne3A_351 = arith.cmpi ne, %add3A_208, %add3A_218 : i32
          %or3A_352 = arith.constant false
          %or3A_353 = arith.ori %or3A_352, %ne3A_351 : i1
          %not3A_354 = arith.constant true
          %not3A_355 = arith.xori %eq3A_204, %not3A_354 : i1
          %and3A_356 = arith.andi %or3A_353, %not3A_355 : i1
          %convert_element_type3A_357 = arith.extui %and3A_356 : i1 to i32
          %cond3A_358 = arith.constant 0 : i32
          %cond3A_359 = arith.cmpi ne, %convert_element_type3A_357, %cond3A_358 : i32
          scf.if %cond3A_359 {
          } else {
          }
          %and3A_360 = arith.constant false
          %and3A_361 = arith.andi %and3A_356, %and3A_360 : i1
          %ne3A_362 = arith.cmpi ne, %add3A_208, %add3A_218 : i32
          %or3A_363 = arith.constant false
          %or3A_364 = arith.ori %or3A_363, %ne3A_362 : i1
          %not3A_365 = arith.constant true
          %not3A_366 = arith.xori %eq3A_204, %not3A_365 : i1
          %and3A_367 = arith.andi %or3A_364, %not3A_366 : i1
          %convert_element_type3A_368 = arith.extui %and3A_367 : i1 to i32
          %cond3A_369 = arith.constant 0 : i32
          %cond3A_370 = arith.cmpi ne, %convert_element_type3A_368, %cond3A_369 : i32
          scf.if %cond3A_370 {
          } else {
          }
          %and3A_371 = arith.constant false
          %and3A_372 = arith.andi %and3A_367, %and3A_371 : i1
          %ne3A_373 = arith.cmpi ne, %add3A_208, %add3A_218 : i32
          %or3A_374 = arith.constant false
          %or3A_375 = arith.ori %or3A_374, %ne3A_373 : i1
          %not3A_376 = arith.constant true
          %not3A_377 = arith.xori %eq3A_204, %not3A_376 : i1
          %and3A_378 = arith.andi %or3A_375, %not3A_377 : i1
          %convert_element_type3A_379 = arith.extui %and3A_378 : i1 to i32
          %cond3A_380 = arith.constant 0 : i32
          %cond3A_381 = arith.cmpi ne, %convert_element_type3A_379, %cond3A_380 : i32
          scf.if %cond3A_381 {
          } else {
          }
          %and3A_382 = arith.constant false
          %and3A_383 = arith.andi %and3A_378, %and3A_382 : i1
          %ne3A_384 = arith.cmpi ne, %add3A_208, %add3A_226 : i32
          %or3A_385 = arith.constant false
          %or3A_386 = arith.ori %or3A_385, %ne3A_384 : i1
          %or3A_387 = arith.ori %or3A_386, %eq3A_207 : i1
          %add3A_388 = arith.constant 1 : i32
          %add3A_389 = arith.addi %while3A_195, %add3A_388 : i32
          %select_n3A_390 = arith.select %or3A_387, %add3A_389, %while3A_195 : i32
          %ne3A_391 = arith.cmpi ne, %add3A_208, %add3A_226 : i32
          %or3A_392 = arith.constant false
          %or3A_393 = arith.ori %or3A_392, %ne3A_391 : i1
          %or3A_394 = arith.ori %or3A_393, %eq3A_207 : i1
          %add3A_395 = arith.constant 1 : i32
          %add3A_396 = arith.addi %while3A_197, %add3A_395 : i32
          %select_n3A_397 = arith.select %or3A_394, %add3A_396, %while3A_197 : i32
          %ne3A_398 = arith.cmpi ne, %add3A_208, %add3A_226 : i32
          %or3A_399 = arith.constant false
          %or3A_400 = arith.ori %or3A_399, %ne3A_398 : i1
          %or3A_401 = arith.ori %or3A_400, %eq3A_207 : i1
          %add3A_402 = arith.constant 1 : i32
          %add3A_403 = arith.addi %while3A_199, %add3A_402 : i32
          %select_n3A_404 = arith.select %or3A_401, %add3A_403, %while3A_199 : i32
          %add3A_405 = arith.constant 1 : i32
          %add3A_406 = arith.addi %while3A_200, %add3A_405 : i32
          %select_n3A_407 = arith.constant true
          %select_n3A_408 = arith.select %select_n3A_407, %add3A_406, %while3A_200 : i32
          %eq3A_409 = arith.cmpi eq, %select_n3A_408, %select_n3A : i32
          %select_n3A_410 = arith.constant 0 : i32
          %select_n3A_411 = arith.select %eq3A_409, %select_n3A_410, %select_n3A_408 : i32
          scf.yield %select_n3A_248, %select_n3A_390, %select_n3A_267, %select_n3A_397, %select_n3A_286, %select_n3A_404, %select_n3A_411 : i32, i32, i32, i32, i32, i32, i32
        }
        %sub3A_139 = arith.constant 1 : i32
        %sub3A_140 = arith.subi %while3A_138#6, %sub3A_139 : i32
        %select_n3A_141 = arith.constant true
        %select_n3A_142 = arith.select %select_n3A_141, %sub3A_140, %while3A_138#6 : i32
        %eq3A_143 = arith.constant -1 : i32
        %eq3A_144 = arith.cmpi eq, %select_n3A_142, %eq3A_143 : i32
        %sub3A_145 = arith.constant 1 : i32
        %sub3A_146 = arith.subi %select_n3A, %sub3A_145 : i32
        %select_n3A_147 = arith.select %eq3A_144, %sub3A_146, %select_n3A_142 : i32
        %sub3A_148 = arith.constant 1 : i32
        %sub3A_149 = arith.subi %mul3A_20, %sub3A_148 : i32
        %mul3A_150 = arith.constant 1 : i32
        %mul3A_151 = arith.muli %mul3A_150, %select_n3A : i32
        %eq3A_152 = arith.constant 0 : i32
        %eq3A_153 = arith.cmpi eq, %sub3A_149, %eq3A_152 : i32
        %sub3A_154 = arith.constant 1 : i32
        %sub3A_155 = arith.subi %mul3A_151, %sub3A_154 : i32
        %eq3A_156 = arith.cmpi eq, %sub3A_149, %sub3A_155 : i32
        %add3A_157 = arith.addi %select_n3A_147, %select_n3A_18 : i32
        %sub3A_158 = arith.constant 1 : i32
        %sub3A_159 = arith.subi %select_n3A_147, %sub3A_158 : i32
        %select_n3A_160 = arith.constant true
        %select_n3A_161 = arith.select %select_n3A_160, %sub3A_159, %select_n3A_147 : i32
        %eq3A_162 = arith.constant -1 : i32
        %eq3A_163 = arith.cmpi eq, %select_n3A_161, %eq3A_162 : i32
        %sub3A_164 = arith.constant 1 : i32
        %sub3A_165 = arith.subi %select_n3A, %sub3A_164 : i32
        %select_n3A_166 = arith.select %eq3A_163, %sub3A_165, %select_n3A_161 : i32
        %add3A_167 = arith.addi %select_n3A_166, %select_n3A_18 : i32
        %add3A_168 = arith.constant 1 : i32
        %add3A_169 = arith.addi %select_n3A_147, %add3A_168 : i32
        %select_n3A_170 = arith.constant true
        %select_n3A_171 = arith.select %select_n3A_170, %add3A_169, %select_n3A_147 : i32
        %eq3A_172 = arith.cmpi eq, %select_n3A_171, %select_n3A : i32
        %select_n3A_173 = arith.constant 0 : i32
        %select_n3A_174 = arith.select %eq3A_172, %select_n3A_173, %select_n3A_171 : i32
        %add3A_175 = arith.addi %select_n3A_174, %select_n3A_18 : i32
        %add3A_176 = arith.constant 1 : i32
        %add3A_177 = arith.addi %select_n3A_174, %add3A_176 : i32
        %select_n3A_178 = arith.constant true
        %select_n3A_179 = arith.select %select_n3A_178, %add3A_177, %select_n3A_174 : i32
        %eq3A_180 = arith.cmpi eq, %select_n3A_179, %select_n3A : i32
        %select_n3A_181 = arith.constant 0 : i32
        %select_n3A_182 = arith.select %eq3A_180, %select_n3A_181, %select_n3A_179 : i32
        %add3A_183 = arith.addi %select_n3A_182, %select_n3A_18 : i32
        %convert_element_type3A_184 = arith.extui %eq3A_156 : i1 to i32
        %cond3A_185 = arith.constant 0 : i32
        %cond3A_186 = arith.cmpi ne, %convert_element_type3A_184, %cond3A_185 : i32
        scf.if %cond3A_186 {
        } else {
        }
        %convert_element_type3A_187 = arith.extui %eq3A_156 : i1 to i32
        %cond3A_188 = arith.constant 0 : i32
        %cond3A_189 = arith.cmpi ne, %convert_element_type3A_187, %cond3A_188 : i32
        scf.if %cond3A_189 {
        } else {
        }
        %convert_element_type3A_190 = arith.extui %eq3A_156 : i1 to i32
        %cond3A_191 = arith.constant 0 : i32
        %cond3A_192 = arith.cmpi ne, %convert_element_type3A_190, %cond3A_191 : i32
        scf.if %cond3A_192 {
        } else {
        }
      } else {
      }
      tpu.yield
    }) : () -> ()
    %mul3A_21 = arith.constant 16 : i32
    %mul3A_22 = arith.muli %arg0, %mul3A_21 : i32
    %add3A_23 = arith.addi %mul3A_22, %arg1 : i32
    %run_scoped3A = arith.constant 0 : i32
    "tpu.region"() ({
      %run_scoped3A_24 = tpu.sem_alloc : memref<!tpu.dma_semaphore, #tpu.memory_space<semaphore_mem>>
      %dma_start3A = arith.constant 0 : i32
      %dma_start3A_25 = tpu.memref_slice %arg5[%add3A_23, %run_scoped3A, %dma_start3A] : memref<32x1x16xf32, #tpu.memory_space<hbm>> -> memref<1x1x16xf32, #tpu.memory_space<hbm>>
      %dma_start3A_26 = tpu.memref_squeeze %dma_start3A_25 : memref<1x1x16xf32, #tpu.memory_space<hbm>> -> memref<16xf32, #tpu.memory_space<hbm>>
      %dma_start3A_27 = arith.constant 0 : i32
      %dma_start3A_28 = tpu.memref_slice %arg5[%add3A_23, %run_scoped3A, %dma_start3A_27] : memref<32x1x16xf32, #tpu.memory_space<hbm>> -> memref<1x1x16xf32, #tpu.memory_space<hbm>>
      %dma_start3A_29 = tpu.memref_squeeze %dma_start3A_28 : memref<1x1x16xf32, #tpu.memory_space<hbm>> -> memref<16xf32, #tpu.memory_space<hbm>>
      tpu.enqueue_dma source(%arg6 : memref<16xf32, #tpu.memory_space<vmem>>) target(%dma_start3A_29 : memref<16xf32, #tpu.memory_space<hbm>>) target_semaphore(%run_scoped3A_24 : memref<!tpu.dma_semaphore, #tpu.memory_space<semaphore_mem>>)
      %dma_wait3A = arith.constant 0 : i32
      %dma_wait3A_30 = tpu.memref_slice %arg5[%add3A_23, %run_scoped3A, %dma_wait3A] : memref<32x1x16xf32, #tpu.memory_space<hbm>> -> memref<1x1x16xf32, #tpu.memory_space<hbm>>
      %dma_wait3A_31 = tpu.memref_squeeze %dma_wait3A_30 : memref<1x1x16xf32, #tpu.memory_space<hbm>> -> memref<16xf32, #tpu.memory_space<hbm>>
      %dma_wait3A_32 = arith.constant 0 : i32
      %dma_wait3A_33 = tpu.memref_slice %arg5[%add3A_23, %run_scoped3A, %dma_wait3A_32] : memref<32x1x16xf32, #tpu.memory_space<hbm>> -> memref<1x1x16xf32, #tpu.memory_space<hbm>>
      %dma_wait3A_34 = tpu.memref_squeeze %dma_wait3A_33 : memref<1x1x16xf32, #tpu.memory_space<hbm>> -> memref<16xf32, #tpu.memory_space<hbm>>
      tpu.wait_dma2 semaphore(%run_scoped3A_24 : memref<!tpu.dma_semaphore, #tpu.memory_space<semaphore_mem>>) src(%arg6 : memref<16xf32, #tpu.memory_space<vmem>>) dst(%dma_wait3A_34 : memref<16xf32, #tpu.memory_space<hbm>>)
      tpu.yield
    }) : () -> ()
    return
  }
}

module attributes {stable_mosaic.version = 14 : i64} {
  func.func @_pass1_kernel(%arg0: i32, %arg1: memref<1x20000x81xf32, #tpu.memory_space<vmem>>, %arg2: memref<1x1x20000xi32, #tpu.memory_space<vmem>>, %arg3: memref<8x81xbf16, #tpu.memory_space<vmem>>, %arg4: memref<1x1x20000xf32, #tpu.memory_space<vmem>>) attributes {dimension_semantics = [#tpu.dimension_semantics<arbitrary>], iteration_bounds = array<i64: 32>, scalar_prefetch = 0 : i64, scratch_operands = 0 : i64, tpu.core_type = #tpu.core_type<tc>, window_params = [{transform_indices = @transform_0, window_bounds = array<i64: 1, 20000, 81>}, {transform_indices = @transform_1, window_bounds = array<i64: 1, 1, 20000>}, {pipeline_mode = #tpu.pipeline_mode<synchronous>, transform_indices = @transform_2, window_bounds = array<i64: 8, 81>}, {transform_indices = @transform_3, window_bounds = array<i64: 1, 1, 20000>}]} {
    %get3A = arith.constant 0 : index
    %get3A_0 = arith.constant 0 : index
    %get3A_1 = arith.constant 0 : index
    %get3A_2 = vector.load %arg1[%get3A, %get3A_0, %get3A_1] : memref<1x20000x81xf32, #tpu.memory_space<vmem>>, vector<1x20000x81xf32>
    %get3A_3 = vector.shape_cast %get3A_2 : vector<1x20000x81xf32> to vector<20000x81xf32>
    %get3A_4 = arith.constant 0 : index
    %get3A_5 = arith.constant 0 : index
    %get3A_6 = arith.constant 0 : index
    %get3A_7 = vector.load %arg2[%get3A_4, %get3A_5, %get3A_6] : memref<1x1x20000xi32, #tpu.memory_space<vmem>>, vector<1x1x20000xi32>
    %get3A_8 = vector.shape_cast %get3A_7 : vector<1x1x20000xi32> to vector<1x20000xi32>
    %convert_element_type3A = arith.sitofp %get3A_8 : vector<1x20000xi32> to vector<1x20000xbf16>
    %get3A_9 = arith.constant 0 : index
    %get3A_10 = arith.constant 0 : index
    %get3A_11 = vector.load %arg3[%get3A_9, %get3A_10] : memref<8x81xbf16, #tpu.memory_space<vmem>>, vector<8x81xbf16>
    %broadcast_in_dim3A = arith.constant 1.000000e+00 : bf16
    %broadcast_in_dim3A_12 = vector.broadcast %broadcast_in_dim3A : bf16 to vector<1x8xbf16>
    %dot_general3A = arith.constant dense<0.000000e+00> : vector<20000x8xf32>
    %dot_general3A_13 = tpu.matmul %convert_element_type3A, %broadcast_in_dim3A_12, %dot_general3A {dimension_numbers = #tpu.dot_dimension_numbers<[0], [0], [1], [1], [0, 1, 1, 1], [], []>, transpose_lhs_hint = false} : vector<1x20000xbf16>, vector<1x8xbf16>, vector<20000x8xf32> -> vector<20000x8xf32>
    %slice3A = vector.extract_strided_slice %dot_general3A_13 {offsets = [0, 0], sizes = [20000, 1], strides = [1, 1]} : vector<20000x8xf32> to vector<20000x1xf32>
    %exp3A = math.exp %get3A_3 : vector<20000x81xf32>
    %convert_element_type3A_14 = arith.truncf %exp3A : vector<20000x81xf32> to vector<20000x81xbf16>
    %dot_general3A_15 = arith.constant dense<0.000000e+00> : vector<8x20000xf32>
    %dot_general3A_16 = tpu.matmul %get3A_11, %convert_element_type3A_14, %dot_general3A_15 {dimension_numbers = #tpu.dot_dimension_numbers<[1], [1], [0], [0], [0, 0, 1, 0], [], []>, transpose_lhs_hint = false} : vector<8x81xbf16>, vector<20000x81xbf16>, vector<8x20000xf32> -> vector<8x20000xf32>
    %iota3A = tpu.iota {dimensions = array<i32: 1>} : vector<20000x81xi32>
    %convert_element_type3A_17 = arith.sitofp %iota3A : vector<20000x81xi32> to vector<20000x81xf32>
    %eq3A = vector.broadcast %slice3A : vector<20000x1xf32> to vector<20000x81xf32>
    %eq3A_18 = arith.cmpf oeq, %convert_element_type3A_17, %eq3A : vector<20000x81xf32>
    %jit3A = arith.constant 0.000000e+00 : f32
    %broadcast_in_dim3A_19 = vector.broadcast %jit3A : f32 to vector<20000x81xf32>
    %select_n3A = arith.select %eq3A_18, %get3A_3, %broadcast_in_dim3A_19 : vector<20000x81xi1>, vector<20000x81xf32>
    %convert_element_type3A_20 = arith.truncf %select_n3A : vector<20000x81xf32> to vector<20000x81xbf16>
    %convert_element_type3A_21 = arith.extf %convert_element_type3A_20 : vector<20000x81xbf16> to vector<20000x81xf32>
    %sub3A = arith.subf %select_n3A, %convert_element_type3A_21 : vector<20000x81xf32>
    %convert_element_type3A_22 = arith.truncf %sub3A : vector<20000x81xf32> to vector<20000x81xbf16>
    %dot_general3A_23 = arith.constant dense<0.000000e+00> : vector<8x20000xf32>
    %dot_general3A_24 = tpu.matmul %get3A_11, %convert_element_type3A_20, %dot_general3A_23 {dimension_numbers = #tpu.dot_dimension_numbers<[1], [1], [0], [0], [0, 0, 1, 0], [], []>, transpose_lhs_hint = false} : vector<8x81xbf16>, vector<20000x81xbf16>, vector<8x20000xf32> -> vector<8x20000xf32>
    %dot_general3A_25 = arith.constant dense<0.000000e+00> : vector<8x20000xf32>
    %dot_general3A_26 = tpu.matmul %get3A_11, %convert_element_type3A_22, %dot_general3A_25 {dimension_numbers = #tpu.dot_dimension_numbers<[1], [1], [0], [0], [0, 0, 1, 0], [], []>, transpose_lhs_hint = false} : vector<8x81xbf16>, vector<20000x81xbf16>, vector<8x20000xf32> -> vector<8x20000xf32>
    %add3A = arith.addf %dot_general3A_24, %dot_general3A_26 : vector<8x20000xf32>
    %slice3A_27 = vector.extract_strided_slice %dot_general3A_16 {offsets = [0, 0], sizes = [1, 20000], strides = [1, 1]} : vector<8x20000xf32> to vector<1x20000xf32>
    %log3A = math.log %slice3A_27 : vector<1x20000xf32>
    %slice3A_28 = vector.extract_strided_slice %add3A {offsets = [0, 0], sizes = [1, 20000], strides = [1, 1]} : vector<8x20000xf32> to vector<1x20000xf32>
    %sub3A_29 = arith.subf %log3A, %slice3A_28 : vector<1x20000xf32>
    %swap3A = arith.constant 0 : index
    %swap3A_30 = arith.constant 0 : index
    %swap3A_31 = arith.constant 0 : index
    %swap3A_32 = vector.load %arg4[%swap3A, %swap3A_30, %swap3A_31] : memref<1x1x20000xf32, #tpu.memory_space<vmem>>, vector<1x1x20000xf32>
    %swap3A_33 = vector.shape_cast %swap3A_32 : vector<1x1x20000xf32> to vector<1x20000xf32>
    %swap3A_34 = vector.shape_cast %sub3A_29 : vector<1x20000xf32> to vector<1x1x20000xf32>
    tpu.vector_store %arg4[%swap3A, %swap3A_30, %swap3A_31], %swap3A_34 {strides = array<i32>} : memref<1x1x20000xf32, #tpu.memory_space<vmem>>, vector<1x1x20000xf32>,
    return
  }
  func.func @transform_0(%arg0: i32) -> (i32, i32, i32) {
    %c0_i32 = arith.constant 0 : i32
    %c0_i32_0 = arith.constant 0 : i32
    %c0_i32_1 = arith.constant 0 : i32
    return %arg0, %c0_i32, %c0_i32_0 : i32, i32, i32
  }
  func.func @transform_1(%arg0: i32) -> (i32, i32, i32) {
    %c0_i32 = arith.constant 0 : i32
    %c0_i32_0 = arith.constant 0 : i32
    %c0_i32_1 = arith.constant 0 : i32
    return %arg0, %c0_i32, %c0_i32_0 : i32, i32, i32
  }
  func.func @transform_2(%arg0: i32) -> (i32, i32) {
    %c0_i32 = arith.constant 0 : i32
    %c0_i32_0 = arith.constant 0 : i32
    %c0_i32_1 = arith.constant 0 : i32
    return %c0_i32, %c0_i32_0 : i32, i32
  }
  func.func @transform_3(%arg0: i32) -> (i32, i32, i32) {
    %c0_i32 = arith.constant 0 : i32
    %c0_i32_0 = arith.constant 0 : i32
    %c0_i32_1 = arith.constant 0 : i32
    return %arg0, %c0_i32, %c0_i32_0 : i32, i32, i32
  }
}

module attributes {stable_mosaic.version = 14 : i64} {
  func.func @_pass2_kernel(%arg0: memref<32x20000xf32, #tpu.memory_space<vmem>>, %arg1: memref<32x20000xi32, #tpu.memory_space<vmem>>, %arg2: memref<32x1x16xf32, #tpu.memory_space<vmem>>, %arg3: memref<1x3xf32, #tpu.memory_space<vmem>>) attributes {dimension_semantics = [], scalar_prefetch = 0 : i64, scratch_operands = 0 : i64, tpu.core_type = #tpu.core_type<tc>} {
    %get3A = arith.constant 0 : index
    %get3A_0 = arith.constant 0 : index
    %get3A_1 = vector.load %arg0[%get3A, %get3A_0] : memref<32x20000xf32, #tpu.memory_space<vmem>>, vector<32x20000xf32>
    %get3A_2 = arith.constant 0 : index
    %get3A_3 = arith.constant 0 : index
    %get3A_4 = vector.load %arg1[%get3A_2, %get3A_3] : memref<32x20000xi32, #tpu.memory_space<vmem>>, vector<32x20000xi32>
    %gt3A = arith.constant 0 : i32
    %gt3A_5 = vector.broadcast %gt3A : i32 to vector<32x20000xi32>
    %gt3A_6 = arith.cmpi sgt, %get3A_4, %gt3A_5 : vector<32x20000xi32>
    %convert_element_type3A = arith.extui %gt3A_6 : vector<32x20000xi1> to vector<32x20000xi32>
    %convert_element_type3A_7 = arith.sitofp %convert_element_type3A : vector<32x20000xi32> to vector<32x20000xf32>
    %reduce_sum3A = arith.constant dense<0.000000e+00> : vector<32xf32>
    %reduce_sum3A_8 = vector.multi_reduction <add>, %convert_element_type3A_7, %reduce_sum3A [1] : vector<32x20000xf32> to vector<32xf32>
    %broadcast_in_dim3A = vector.shape_cast %reduce_sum3A_8 : vector<32xf32> to vector<32x1xf32>
    %mul3A = arith.constant 3.000000e+00 : f32
    %mul3A_9 = vector.broadcast %mul3A : f32 to vector<32x1xf32>
    %mul3A_10 = arith.mulf %mul3A_9, %broadcast_in_dim3A : vector<32x1xf32>
    %min3A = arith.constant 1.999900e+04 : f32
    %min3A_11 = vector.broadcast %min3A : f32 to vector<32x1xf32>
    %min3A_12 = arith.minimumf %mul3A_10, %min3A_11 : vector<32x1xf32>
    %jit3A = arith.constant 0.000000e+00 : f32
    %broadcast_in_dim3A_13 = vector.broadcast %jit3A : f32 to vector<32x20000xf32>
    %select_n3A = arith.select %gt3A_6, %broadcast_in_dim3A_13, %get3A_1 : vector<32x20000xi1>, vector<32x20000xf32>
    %bitcast_convert_type3A = tpu.bitcast %select_n3A : vector<32x20000xf32> -> vector<32x20000xi32>
    %broadcast_in_dim3A_14 = arith.constant 0 : i32
    %broadcast_in_dim3A_15 = vector.broadcast %broadcast_in_dim3A_14 : i32 to vector<32x1xi32>
    %scan3A = arith.constant 0 : i32
    %scan3A_16 = arith.constant 31 : i32
    %scan3A_17 = arith.addi %scan3A, %scan3A_16 : i32
    %scan3A_18 = arith.constant 1 : i32
    %scan3A_19 = scf.for %scan3A_66 = %scan3A to %scan3A_17 step %scan3A_18 iter_args(%scan3A_67 = %broadcast_in_dim3A_15) -> (vector<32x1xi32>)  : i32 {
      %sub3A_68 = arith.constant 30 : i32
      %sub3A_69 = arith.subi %sub3A_68, %scan3A_66 : i32
      %shift_left3A = arith.constant 1 : i32
      %shift_left3A_70 = arith.shli %shift_left3A, %sub3A_69 : i32
      %or3A = vector.broadcast %shift_left3A_70 : i32 to vector<32x1xi32>
      %or3A_71 = arith.ori %scan3A_67, %or3A : vector<32x1xi32>
      %ge3A = vector.broadcast %or3A_71 : vector<32x1xi32> to vector<32x20000xi32>
      %ge3A_72 = arith.cmpi sge, %bitcast_convert_type3A, %ge3A : vector<32x20000xi32>
      %convert_element_type3A_73 = arith.extui %ge3A_72 : vector<32x20000xi1> to vector<32x20000xi32>
      %convert_element_type3A_74 = arith.sitofp %convert_element_type3A_73 : vector<32x20000xi32> to vector<32x20000xf32>
      %reduce_sum3A_75 = arith.constant dense<0.000000e+00> : vector<32xf32>
      %reduce_sum3A_76 = vector.multi_reduction <add>, %convert_element_type3A_74, %reduce_sum3A_75 [1] : vector<32x20000xf32> to vector<32xf32>
      %broadcast_in_dim3A_77 = vector.shape_cast %reduce_sum3A_76 : vector<32xf32> to vector<32x1xf32>
      %ge3A_78 = arith.cmpf oge, %broadcast_in_dim3A_77, %min3A_12 : vector<32x1xf32>
      %select_n3A_79 = arith.select %ge3A_78, %or3A_71, %scan3A_67 : vector<32x1xi1>, vector<32x1xi32>
      scf.yield %select_n3A_79 : vector<32x1xi32>
    }
    %scan3A_20 = arith.constant 31 : i32
    %bitcast_convert_type3A_21 = tpu.bitcast %scan3A_19 : vector<32x1xi32> -> vector<32x1xf32>
    %gt3A_22 = vector.broadcast %bitcast_convert_type3A_21 : vector<32x1xf32> to vector<32x20000xf32>
    %gt3A_23 = arith.cmpf ogt, %select_n3A, %gt3A_22 : vector<32x20000xf32>
    %convert_element_type3A_24 = arith.extui %gt3A_23 : vector<32x20000xi1> to vector<32x20000xi32>
    %convert_element_type3A_25 = arith.sitofp %convert_element_type3A_24 : vector<32x20000xi32> to vector<32x20000xf32>
    %reduce_sum3A_26 = arith.constant dense<0.000000e+00> : vector<32xf32>
    %reduce_sum3A_27 = vector.multi_reduction <add>, %convert_element_type3A_25, %reduce_sum3A_26 [1] : vector<32x20000xf32> to vector<32xf32>
    %broadcast_in_dim3A_28 = vector.shape_cast %reduce_sum3A_27 : vector<32xf32> to vector<32x1xf32>
    %jit3A_29 = arith.constant 0.000000e+00 : f32
    %broadcast_in_dim3A_30 = vector.broadcast %jit3A_29 : f32 to vector<32x20000xf32>
    %select_n3A_31 = arith.select %gt3A_23, %select_n3A, %broadcast_in_dim3A_30 : vector<32x20000xi1>, vector<32x20000xf32>
    %reduce_sum3A_32 = arith.constant dense<0.000000e+00> : vector<32xf32>
    %reduce_sum3A_33 = vector.multi_reduction <add>, %select_n3A_31, %reduce_sum3A_32 [1] : vector<32x20000xf32> to vector<32xf32>
    %broadcast_in_dim3A_34 = vector.shape_cast %reduce_sum3A_33 : vector<32xf32> to vector<32x1xf32>
    %gt3A_35 = arith.constant 0.000000e+00 : f32
    %gt3A_36 = vector.broadcast %gt3A_35 : f32 to vector<32x1xf32>
    %gt3A_37 = arith.cmpf ogt, %min3A_12, %gt3A_36 : vector<32x1xf32>
    %sub3A = arith.subf %min3A_12, %broadcast_in_dim3A_28 : vector<32x1xf32>
    %mul3A_38 = arith.mulf %bitcast_convert_type3A_21, %sub3A : vector<32x1xf32>
    %add3A = arith.addf %broadcast_in_dim3A_34, %mul3A_38 : vector<32x1xf32>
    %jit3A_39 = arith.constant 0.000000e+00 : f32
    %broadcast_in_dim3A_40 = vector.broadcast %jit3A_39 : f32 to vector<32x1xf32>
    %select_n3A_41 = arith.select %gt3A_37, %add3A, %broadcast_in_dim3A_40 : vector<32x1xi1>, vector<32x1xf32>
    %jit3A_42 = arith.constant 0.000000e+00 : f32
    %broadcast_in_dim3A_43 = vector.broadcast %jit3A_42 : f32 to vector<32x20000xf32>
    %select_n3A_44 = arith.select %gt3A_6, %get3A_1, %broadcast_in_dim3A_43 : vector<32x20000xi1>, vector<32x20000xf32>
    %reduce_sum3A_45 = arith.constant dense<0.000000e+00> : vector<32xf32>
    %reduce_sum3A_46 = vector.multi_reduction <add>, %select_n3A_44, %reduce_sum3A_45 [1] : vector<32x20000xf32> to vector<32xf32>
    %broadcast_in_dim3A_47 = vector.shape_cast %reduce_sum3A_46 : vector<32xf32> to vector<32x1xf32>
    %add3A_48 = arith.addf %broadcast_in_dim3A_47, %select_n3A_41 : vector<32x1xf32>
    %reduce_sum3A_49 = arith.constant dense<0.000000e+00> : vector<1xf32>
    %reduce_sum3A_50 = vector.multi_reduction <add>, %add3A_48, %reduce_sum3A_49 [0] : vector<32x1xf32> to vector<1xf32>
    %broadcast_in_dim3A_51 = vector.shape_cast %reduce_sum3A_50 : vector<1xf32> to vector<1x1xf32>
    %reduce_sum3A_52 = arith.constant dense<0.000000e+00> : vector<1xf32>
    %reduce_sum3A_53 = vector.multi_reduction <add>, %broadcast_in_dim3A, %reduce_sum3A_52 [0] : vector<32x1xf32> to vector<1xf32>
    %broadcast_in_dim3A_54 = vector.shape_cast %reduce_sum3A_53 : vector<1xf32> to vector<1x1xf32>
    %get3A_55 = arith.constant 0 : index
    %get3A_56 = arith.constant 0 : index
    %get3A_57 = arith.constant 0 : index
    %get3A_58 = vector.load %arg2[%get3A_55, %get3A_56, %get3A_57] : memref<32x1x16xf32, #tpu.memory_space<vmem>>, vector<32x1x16xf32>
    %reduce_sum3A_59 = vector.shape_cast %get3A_58 : vector<32x1x16xf32> to vector<1x32x1x16xf32>
    %reduce_sum3A_60 = arith.constant dense<0.000000e+00> : vector<1xf32>
    %reduce_sum3A_61 = vector.multi_reduction <add>, %reduce_sum3A_59, %reduce_sum3A_60 [1, 2, 3] : vector<1x32x1x16xf32> to vector<1xf32>
    %reduce_sum3A_62 = vector.shape_cast %reduce_sum3A_61 : vector<1xf32> to vector<1x1x1x1xf32>
    %reduce_sum3A_63 = vector.extract %reduce_sum3A_62[0, 0, 0, 0] : f32 from vector<1x1x1x1xf32>
    %reshape3A = vector.broadcast %reduce_sum3A_63 : f32 to vector<1x1xf32>
    %concatenate3A = tpu.concatenate %broadcast_in_dim3A_51, %broadcast_in_dim3A_54, %reshape3A in 1 : vector<1x1xf32>, vector<1x1xf32>, vector<1x1xf32> -> vector<1x3xf32>
    %swap3A = arith.constant 0 : index
    %swap3A_64 = arith.constant 0 : index
    %swap3A_65 = vector.load %arg3[%swap3A, %swap3A_64] : memref<1x3xf32, #tpu.memory_space<vmem>>, vector<1x3xf32>
    tpu.vector_store %arg3[%swap3A, %swap3A_64], %concatenate3A {strides = array<i32>} : memref<1x3xf32, #tpu.memory_space<vmem>>, vector<1x3xf32>,
    return
  }
}

</mosaic_0001>

<sc_bundles>
// kernel: kernel.5.cloned.1.call-start
scs
__scs_entry_jumppad:
0x0: {  	(pc) =	sbr.rel $0x88, $3  }
0x1: {  	(tag) =	ssettag $0x0;
	lr =	simm.s32 $0x1  }
0x2: {  	[smem:$0x3F9D] =	sst lr;
	_ =	strace $0xD0000000  }
0x3: {  	_ = 	snop  }
0x4: {  	_ = 	snop  }
0x5: {  	_ = 	snop  }
0x6: {  	_ = 	snop  }
0x7: {  	_ = 	snop  }
__scs_overlays_trampoline_lowered:
0x8: {  	[smem:$0x3FAC] =	sst s0  }
0x9: {  	[smem:$0x3FAD] =	sst s1  }
0xa: {  	[smem:$0x3FAE] =	sst s2  }
0xb: {  	[smem:$0x3FAF] =	sst s3  }
0xc: {  	[smem:$0x3FB0] =	sst s4  }
0xd: {  	[smem:$0x3FB1] =	sst s5  }
0xe: {  	[smem:$0x3FB2] =	sst s6  }
0xf: {  	[smem:$0x3FB3] =	sst s7  }
0x10: {  	[smem:$0x3FB4] =	sst s8  }
0x11: {  	[smem:$0x3FB5] =	sst s9;
	s0 =	simm.s32 @!p0 $0x0  }
0x12: {  	s1 =	sld [smem:$0x3F9B];
	s0 =	simm.s32 @p0 $0x1  }
0x13: {  	[smem:$0x3FB6] =	sst s0;
	s0 =	simm.s32 @!p1 $0x0  }
0x14: {  	s2 =	sld [smem:$0x3F9A];
	s0 =	simm.s32 @p1 $0x1  }
0x15: {  	[smem:$0x3FB7] =	sst s0;
	s0 =	simm.s32 @!p2 $0x0  }
0x16: {  	s3 =	sld [smem:$0x3FDB];
	s0 =	simm.s32 @p2 $0x1  }
0x17: {  	s4 =	simm.s32 $0x1BF5;
	[smem:$0x3FB9] =	sst s0  }
0x18: {  	s0 =	sld [smem:$0x3F9C];
	_ =	swait.ge [sflag:s4], $0x0  }
0x19: {  	s7 =	sld [smem:$0x3F9D]  }
0x1a: {  	s8 =	sadd.s32 $0xFFFFE003, lr  }
0x1b: {  	s9 =	sadd.s32 $0xFFFFFEF7, lr;
	s5 =	simm.s32 $0xFFFFFFFF;
	p2 =	slt.u32 s8, $0xFFFFF086  }
0x1c: {  	p1 =	slt.u32 s9, $0xF7A;
	s5 =	simm.s32 @!p2 $0x0  }
0x1d: {  	s5 =	simm.s32 @p1 $0x1;
	p0 =	seq.s32 s7, s2  }
0x1e: {  	s7 =	smul.u32 @!p0 $0xF7A, s2;
	p2 =	seq.s32 @!p0 s5, $0x0  }
0x1f: {  	s9 =	smul.u32 $0xF7A, s1;
	s8 =	simm.s32 @!p0 $0x1BF5;
	p2 =	por !p2, p0  }
0x20: {  	[sflag:s8] =	ssyncset.s32 @!p0 $0xFFFFF086;
	s6 =	sadd.s32 @!p0 s3, s7;
	s7 =	simm.s32 @!p0 $0x108  }
0x21: {  	s3 =	sadd.s32 s3, s9;
	s6 =	sadd.s32 @!p0 $0x88, s6;
	s7 =	simm.s32 @p2 $0x1082  }
0x22: {  	[simem:s7], [sflag:s8] =	dma.local @!p0 [hbm:s6], $0xF7A  }
0x23: {  	s9 =	sor.u32 $0xD0000000, s2;
	s6 =	simm.s32 $0x108;
	_ =	swait.ge @!p0 [sflag:s8], $0x0  }
0x24: {  	s3 =	sadd.s32 $0x88, s3;
	s6 =	simm.s32 @!p1 $0x1082;
	[sflag:s4] =	ssyncset.s32 $0xFFFFF086  }
0x25: {  	[simem:s6], [sflag:s4] =	dma.local [hbm:s3], $0xF7A  }
0x26: {  	[smem:$0x3F9D] =	sst s1;
	(tag) =	ssettag s2;
	_ =	strace s9  }
0x27: {  	s1 =	sld [smem:$0x3FAD]  }
0x28: {  	s2 =	sld [smem:$0x3FAE]  }
0x29: {  	s4 =	sld [smem:$0x3FB0]  }
0x2a: {  	p0 =	seq.s32 s5, $0x0;
	s5 =	sld [smem:$0x3FB1]  }
0x2b: {  	s6 =	sld [smem:$0x3FB2]  }
0x2c: {  	s7 =	sld [smem:$0x3FB3]  }
0x2d: {  	s3 =	simm.s32 $0x108;
	s8 =	sld [smem:$0x3FB4]  }
0x2e: {  	s3 =	simm.s32 @!p0 $0x1082;
	s9 =	sld [smem:$0x3FB5]  }
0x2f: {  	lr =	sadd.s32 s0, s3;
	s0 =	sld [smem:$0x3FAC]  }
0x30: {  	s3 =	sld [smem:$0x3FAF]  }
0x31: {  	[smem:$0x3FB8] =	sst s10  }
0x32: {  	s10 =	sld [smem:$0x3FB6];
	_ =	sdelay $0x3  }
0x33: {  	p0 =	seq.s32 s10, $0x1;
	s10 =	sld [smem:$0x3FB8];
	_ =	sdelay $0x3  }
0x34: {  	[smem:$0x3FB8] =	sst s10  }
0x35: {  	s10 =	sld [smem:$0x3FB7];
	_ =	sdelay $0x3  }
0x36: {  	p1 =	seq.s32 s10, $0x1;
	s10 =	sld [smem:$0x3FB8];
	_ =	sdelay $0x3  }
0x37: {  	[smem:$0x3FB8] =	sst s10  }
0x38: {  	s10 =	sld [smem:$0x3FB9]  }
0x39: {  	_ = 	snop;
	(pc) =	sbr.ind lr, $3  }
0x3a: {  	_ = 	snop  }
0x3b: {  	_ = 	snop  }
0x3c: {  	p2 =	seq.s32 s10, $0x1;
	s10 =	sld [smem:$0x3FB8]  }
0x3d: {  	_ =	shalt  }
0x3e: {  	_ =	shalt  }
0x3f: {  	_ =	shalt  }
0x40: {  	_ =	shalt  }
0x41: {  	_ =	shalt  }
0x42: {  	_ =	shalt  }
0x43: {  	_ =	shalt  }
0x44: {  	_ =	shalt  }
0x45: {  	_ =	shalt  }
0x46: {  	_ =	shalt  }
0x47: {  	_ =	shalt  }
0x48: {  	_ =	shalt  }
0x49: {  	_ =	shalt  }
0x4a: {  	_ =	shalt  }
0x4b: {  	_ =	shalt  }
0x4c: {  	_ =	shalt  }
0x4d: {  	_ =	shalt  }
0x4e: {  	_ =	shalt  }
0x4f: {  	_ =	shalt  }
0x50: {  	_ =	shalt  }
0x51: {  	_ =	shalt  }
0x52: {  	_ =	shalt  }
0x53: {  	_ =	shalt  }
0x54: {  	_ =	shalt  }
0x55: {  	_ =	shalt  }
0x56: {  	_ =	shalt  }
0x57: {  	_ =	shalt  }
0x58: {  	_ =	shalt  }
0x59: {  	_ =	shalt  }
0x5a: {  	_ =	shalt  }
0x5b: {  	_ =	shalt  }
0x5c: {  	_ =	shalt  }
0x5d: {  	_ =	shalt  }
0x5e: {  	_ =	shalt  }
0x5f: {  	_ =	shalt  }
0x60: {  	_ =	shalt  }
0x61: {  	_ =	shalt  }
0x62: {  	_ =	shalt  }
0x63: {  	_ =	shalt  }
0x64: {  	_ =	shalt  }
0x65: {  	_ =	shalt  }
0x66: {  	_ =	shalt  }
0x67: {  	_ =	shalt  }
0x68: {  	_ =	shalt  }
0x69: {  	_ =	shalt  }
0x6a: {  	_ =	shalt  }
0x6b: {  	_ =	shalt  }
0x6c: {  	_ =	shalt  }
0x6d: {  	_ =	shalt  }
0x6e: {  	_ =	shalt  }
0x6f: {  	_ =	shalt  }
0x70: {  	_ =	shalt  }
0x71: {  	_ =	shalt  }
0x72: {  	_ =	shalt  }
0x73: {  	_ =	shalt  }
0x74: {  	_ =	shalt  }
0x75: {  	_ =	shalt  }
0x76: {  	_ =	shalt  }
0x77: {  	_ =	shalt  }
0x78: {  	_ =	shalt  }
0x79: {  	_ =	shalt  }
0x7a: {  	_ =	shalt  }
0x7b: {  	_ =	shalt  }
0x7c: {  	_ =	shalt  }
0x7d: {  	_ =	shalt  }
0x7e: {  	_ =	shalt  }
0x7f: {  	_ =	shalt  }
0x80: {  	_ =	shalt  }
0x81: {  	_ =	shalt  }
0x82: {  	_ =	shalt  }
0x83: {  	_ =	shalt  }
0x84: {  	_ =	shalt  }
0x85: {  	_ =	shalt  }
0x86: {  	_ =	shalt  }
0x87: {  	_ =	shalt  }
.Lfunc_end0:
.L_simem_size_0:
called_computation_lowered:
.L_overlay_start_0:
0x88: {  	s2 =	sld [smem:$0x3FD9]  }
0x89: {  	s3 =	sld [smem:$0x3FFE];
	_ =	sdelay $0x1  }
0x8a: {  	s1 =	srdreg.scid  }
0x8b: {  	s0 =	sand.u32 $0x1, s1  }
0x8c: {  	s16 =	sshll.u32 s0, $0xA;
	s2 =	sadd.s32 s3, s2  }
0x8d: {  	s2 =	sadd.s32 s2, s16  }
0x8e: {  	[smem:$0x3FC4] =	sst s2  }
0x8f: {  	_ = 	snop  }
0x90: {  	(tm) =	ssettm $0x1  }
0x91: {  	s17 =	sld [smem:$0x3FFB];
	_ =	sdelay $0x3  }
0x92: {  	_ =	strace s17  }
0x93: {  	s2 =	sld [smem:$0x3FFC];
	_ =	sdelay $0x3  }
0x94: {  	_ =	strace s2  }
0x95: {  	s2 =	sld [smem:$0x3FFD];
	_ =	sdelay $0x3  }
0x96: {  	_ =	strace s2  }
0x97: {  	_ =	strace $0x8FFFFFFF  }
0x98: {  	s18 =	sld [smem:$0x3FDB];
	_ =	sdelay $0x1  }
0x99: {  	s19 =	simm.s32 $_scs_section_size  }
0x9a: {  	s4 =	simm.s32 $_size__tile_overlayer_lowered;
	s5 =	simm.s32 $_tile_overlayer_lowered  }
0x9b: {  	s22 =	simm.s32 $0x1BFF;
	s21 =	sshll.u32 s5, $0x1;
	s2 =	sadd.s32 s19, s18  }
0x9c: {  	s6 =	simm.s32 $0x0;
	s20 =	sshll.u32 s4, $0x1;
	s4 =	sadd.s32 s21, s2  }
0x9d: {  	[timem:s6], [sflag:s22] =	dma.local [hbm:s4], s20  }
0x9e: {  	_ =	swait.ge [sflag:s22], s20  }
0x9f: {  	s3 =	ssub.s32 $0x0, s20;
	[sflag:s22] =	ssyncset.done $0x0  }
0xa0: {  	[sflag:s22] =	ssyncadd.s32 s3;
	_ =	sdelay $0x1  }
0xa1: {  	s23 =	simm.s32 $0x1B8B  }
0xa2: {  	_ =	swait.ge [sflag:s23], $0x1  }
0xa3: {  	[sflag:s23] =	ssyncset.done $0x0  }
0xa4: {  	s25 =	simm.s32 $0x1B8E;
	s24 =	sld [smem:$0x3FFE];
	[sflag:s23] =	ssyncadd.s32 $0xFFFFFFFF  }
0xa5: {  	s26 =	simm.s32 $execute0_lowered;
	[smem:$0x3FD2] =	sst s25  }
0xa6: {  	s4 =	sshll.u32 s26, $0x1;
	_ =	strace $0x80000046;
	[dreg:$0x1] =	wrdreg $0xFFFFFFFF  }
0xa7: {  	s28 =	simm.s32 $_size_execute0_lowered;
	s2 =	sadd.s32 s2, s4;
	[dreg:$0x0] =	wrdreg $0x0  }
0xa8: {  	s4 =	sshll.u32 s28, $0x1;
	[dreg:$0x2] =	wrdreg s2  }
0xa9: {  	[dreg:$0x3] =	wrdreg s4  }
0xaa: {  	[dreg:$0x4] =	wrdreg $0xC0  }
0xab: {  	_ =	task [dreg:s6], $0x5FFFF  }
0xac: {  	[dreg:$0x1] =	wrdreg $0xFFFFFFFF  }
0xad: {  	[dreg:$0x0] =	wrdreg $0x60  }
0xae: {  	[dreg:$0x2] =	wrdreg s24  }
0xaf: {  	[dreg:$0x3] =	wrdreg $0x9  }
0xb0: {  	_ =	task.clear_ibuf [dreg:s6], $0x4FFFF;
	_ =	strace $0x90000046  }
0xb1: {  	s29 =	simm.s32 $0x9;
	_ =	strace $0x80000050  }
0xb2: {  	_ =	swait.ge [sflag:s29], $0x1  }
0xb3: {  	[sflag:s29] =	ssyncadd.s32 $0xFFFFFFFF  }
0xb4: {  	_ =	strace $0x90000050  }
0xb5: {  	_ =	sfence  }
0xb6: {  	s30 =	sld [smem:$0x0];
	_ =	sdelay $0x2  }
0xb7: {  	s31 =	sshll.u32 s1, $0xD;
	s1 =	sshrl.u32 s1, $0x2  }
0xb8: {  	s3 =	sand.u32 $0x4000, s31;
	s1 =	sadd.s32 s1, s30  }
0xb9: {  	s0 =	sor.u32 s3, s0;
	s1 =	sshll.u32 s1, $0x11  }
0xba: {  	s0 =	sor.u32 s1, s0  }
0xbb: {  	s0 =	sadd.s32 $0x8F2B, s0  }
0xbc: {  	[sflag:s0] =	ssyncadd.remote.s32 $0x1  }
0xbd: {  	_ =	sfence.sel $0xFFFF  }
0xbe: {  	[dreg:$0x0] =	wrdreg $0xFFFFFFFF;
	(pc) =	sbr.abs _section_cstart, $3  }
0xbf: {  	[dreg:$0x1] =	wrdreg $0xFFFFFFFF  }
0xc0: {  	_ =	task.clear_ibuf [dreg:s6], $0x2FFFF;
	_ =	strace $0x9FFFFFFF  }
0xc1: {  	(tm) =	ssettm $0x7FFFFFFF  }
tec
execute0_lowered:
.L_overlay_start_1:
0x0: {  	(tag) =	ssettag $0x1  }
0x1: {  	s7 =	rddreg [dreg:$0x0];
	s1 =	srdreg.scid  }
0x2: {  	s2 =	simm.s32 $0x0;
	s0 =	stileid.u32;
	s16 =	simm.s32 $0x2080  }
0x3: {  	s17 =	simm.s32 $0x1;
	s18 =	simm.s32 $0x0;
	s8 =	sand.u32 $0x1, s1  }
0x4: {  	[smem:$0x7FF] =	sst s2;
	s4 =	sadd.s32 $0xA61400, s7;
	s3 =	sshll.u32 s8, $0x4  }
0x5: {  	s5 =	sadd.s32 $0x9C5000, s7;
	_ =	strace $0x80000047;
	s9 =	sor.u32 s0, s3  }
0x6: {  	s8 =	ssub.s32 $0x2, s8;
	s3 =	sadd.s32 $0xA13200, s7;
	s6 =	smul.u32 $0x27, s9  }
0x7: {  	s29 =	sshrl.u32 s8, $0x1;
	s10 =	smul.u32 $0x28, s9;
	p0 =	slt.u32 s9, $0x2  }
0x8: {  	s9 =	sshll.u32 s9, $0x4;
	s13 =	ssub.s32 s8, s29;
	s6 =	sadd.s32 $0x2, s6  }
0x9: {  	s12 =	sadd.s32 s9, s7;
	s7 =	simm.s32 $0x28;
	s6 =	smov.u32 @p0 s10  }
0xa: {  	s13 =	smax.u32 s13, $0x1;
	s7 =	simm.s32 @!p0 $0x27;
	s30 =	sshll.u32 s6, $0x8  }
0xb: {  	s12 =	sadd.s32 $0x1000, s12;
	s11 =	sadd.s32 $0xFFFFFFFF, s7;
	s31 =	sand.u32 $0x1FFFFF00, s30  }
0xc: {  	v0 =	vimm.f32 $0.0e+00;
	s8 =	sadd.s32 s3, s31;
	s9 =	sadd.s32 s4, s31;
	s10 =	sadd.s32 s5, s31  }
.LBB2_1:
0xd: {  	[tilespmem:$0x0] =	vst v0  }
0xe: {  	s0 =	simm.s32 $0x80;
	s31 =	simm.s32 $0x1080;
	_ =	strace $0x80000048  }
0xf: {  	[tilespmem:s0], [sflag:$0x1] =	stream.linear.gather [hbm4b:s8+s2], $0x800, $0x200038;
	[tilespmem:$0x3080] =	vst v63  }
0x10: {  	s28 =	simm.s32 $0x0;
	s19 =	simm.s32 $0x0;
	s20 =	simm.s32 $0x1  }
0x11: {  	[tilespmem:s31], [sflag:$0x3] =	stream.linear.gather [hbm4b:s9+s2], $0x800, $0x200038;
	[tilespmem:$0x3080] =	vst v63  }
0x12: {  	s21 =	simm.s32 $0x0;
	s15 =	simm.s32 $0x1;
	s23 =	simm.s32 $0x0  }
0x13: {  	[tilespmem:s16], [sflag:$0x5] =	stream.linear.gather [hbm4b:s10+s2], $0x800, $0x200038;
	[tilespmem:$0x3080] =	vst v63  }
0x14: {  	s24 =	simm.s32 $0x1;
	s25 =	simm.s32 $0x0;
	_ =	strace $0x90000048  }
.LBB2_2:
0x15: {  	s26 =	sadd.s32 $0x1, s28  }
0x16: {  	p0 =	seq.s32 s26, s7  }
0x17: {  	s26 =	simm.s32 @p0 $0x0;
	p0 =	sge.u32 s25, s11  }
0x18: {  	p1 =	seq.s32 @!p0 s28, s26  }
0x19: {  	p2 =	por p1, p0  }
0x1a: {  	s29 =	sadd.s32 @!p2 s6, s26  }
0x1b: {  	s31 =	sand.u32 @!p2 $0x1, s24;
	_ =	strace @!p2 $0x80000049;
	s29 =	sshll.u32 @!p2 s29, $0x8  }
0x1c: {  	s14 =	simm.s32 @!p2 $0x0;
	s0 =	sshll.u32 @!p2 s31, $0xB;
	s29 =	sand.u32 @!p2 $0x1FFFFF00, s29  }
0x1d: {  	s31 =	sadd.s32 @!p2 $0x1, s31;
	s0 =	sor.u32 @!p2 $0x80, s0;
	s1 =	sadd.s32 @!p2 s3, s29  }
0x1e: {  	[tilespmem:s0], [sflag:s31] =	stream.linear.gather @!p2 [hbm4b:s1+s14], $0x800, $0x200038;
	[tilespmem:$0x3080] =	vst v63  }
0x1f: {  	s0 =	sand.u32 @!p2 $0x1, s15  }
0x20: {  	s31 =	sadd.s32 @!p2 s4, s29;
	_ =	strace @!p2 $0x90000049;
	s1 =	sshll.u32 @!p2 s0, $0xB  }
0x21: {  	s0 =	sadd.s32 @!p2 $0x3, s0;
	_ =	strace @!p2 $0x8000004A;
	s1 =	sor.u32 @!p2 $0x1080, s1  }
0x22: {  	[tilespmem:s1], [sflag:s0] =	stream.linear.gather @!p2 [hbm4b:s31+s14], $0x800, $0x200038;
	[tilespmem:$0x3080] =	vst v63  }
0x23: {  	s0 =	sand.u32 @!p2 $0x1, s20  }
0x24: {  	s29 =	sadd.s32 @!p2 s5, s29;
	_ =	strace @!p2 $0x9000004A;
	s1 =	sshll.u32 @!p2 s0, $0xB  }
0x25: {  	s0 =	sadd.s32 @!p2 $0x5, s0;
	_ =	strace @!p2 $0x8000004B;
	s1 =	sor.u32 @!p2 $0x2080, s1  }
0x26: {  	[tilespmem:s1], [sflag:s0] =	stream.linear.gather @!p2 [hbm4b:s29+s14], $0x800, $0x200038;
	[tilespmem:$0x3080] =	vst v63  }
0x27: {  	s14 =	sand.u32 $0x1, s23;
	_ =	strace @!p2 $0x9000004B  }
0x28: {  	s0 =	sadd.s32 $0x1, s14;
	_ =	strace $0x8000004C  }
0x29: {  	_ =	swait.ge [sflag:s0], $0x800  }
0x2a: {  	[sflag:s0] =	ssyncset.done $0x0  }
0x2b: {  	[sflag:s0] =	ssyncadd.s32 $0xFFFFF800  }
0x2c: {  	s1 =	sand.u32 $0x1, s21;
	_ =	strace $0x9000004C  }
0x2d: {  	s0 =	sadd.s32 $0x3, s1;
	_ =	strace $0x8000004D  }
0x2e: {  	_ =	swait.ge [sflag:s0], $0x800  }
0x2f: {  	[sflag:s0] =	ssyncset.done $0x0  }
0x30: {  	s22 =	smov.u32 s15;
	[sflag:s0] =	ssyncadd.s32 $0xFFFFF800  }
0x31: {  	p1 =	por !p1, p0;
	s0 =	sand.u32 $0x1, s19;
	_ =	strace $0x9000004D  }
0x32: {  	s29 =	sshll.u32 s21, $0xB;
	s0 =	sadd.s32 $0x5, s0;
	_ =	strace $0x8000004E  }
0x33: {  	s14 =	sadd.s32 @!p2 $0x1, s15;
	s31 =	sand.u32 $0x800, s29;
	_ =	swait.ge [sflag:s0], $0x800  }
0x34: {  	s15 =	smov.u32 @p1 s14;
	s14 =	sshll.u32 s23, $0xB;
	[sflag:s0] =	ssyncset.done $0x0  }
0x35: {  	s31 =	sor.u32 $0x1080, s31;
	[sflag:s0] =	ssyncadd.s32 $0xFFFFF800;
	s0 =	sand.u32 $0x800, s14  }
0x36: {  	v1 =	vmov s31;
	s0 =	sor.u32 $0x80, s0  }
0x37: {  	s30 =	smov.u32 s24;
	s29 =	simm.s32 $0x0;
	s15 =	smov.u32 @p0 s22;
	v4 =	vmov s0  }
0x38: {  	s22 =	sshll.u32 s19, $0xB;
	s1 =	sadd.s32 @!p2 $0x1, s24;
	_ =	strace $0x9000004E  }
0x39: {  	s24 =	smov.u32 @p1 s1;
	s1 =	sand.u32 $0x800, s22;
	_ =	strace $0x8000004F  }
0x3a: {  	s29 =	simm.s32 @p1 $0x1;
	s31 =	simm.s32 $0x0;
	s1 =	sor.u32 $0x2080, s1;
	v2 =	vld [tilespmem:$0x0]  }
0x3b: {  	s29 =	simm.s32 @p0 $0x0;
	s24 =	smov.u32 @p0 s30;
	s30 =	simm.s32 $0x40;
	v3 =	vmov s1;
	v5 =	vld.idx.msk [tilespmem:v1+s31+$0x0 ss:$0x1], $0xffff  }
.LBB2_3:
0x3c: {  	p0 =	sne.s32 s30, $0x1FC0;
	v6 =	vld.idx.msk [tilespmem:v4+s31+$0x0 ss:$0x1], $0xffff;
	_ =	sdelay $0x5  }
0x3d: {  	v5 =	vsub.f32 v6, v5;
	_ =	sdelay $0x1  }
0x3e: {  	v5 =	vand.u32 $0x7FFFFFFF, v5  }
0x3f: {  	v6 =	vmin.f32 v5, $1.000000000e+00;
	v7 =	vld.idx.msk [tilespmem:v3+s31+$0x0 ss:$0x1], $0xffff  }
0x40: {  	v8 =	vmul.f32 $-5.000000000e-01, v6;
	_ =	sdelay $0x1  }
0x41: {  	v5 =	vadd.f32 v8, v5;
	_ =	sdelay $0x1  }
0x42: {  	v5 =	vmul.f32 v5, v6  }
0x43: {  	vm0 =	vgt.s32 v7, $0x0  }
.Ltmp0:
0x44: {  	v5 =	vnsel vm0, $0x0, v5;
	(pc) =	sbr.rel @p0 .LBB2_3-.Ltmp0, $3  }
0x45: {  	v2 =	vadd.f32 v5, v2;
	_ =	sdelay $0x1  }
0x46: {  	s31 =	sshra.s32 s30, $0x2;
	[tilespmem:$0x0] =	vst v2  }
0x47: {  	s30 =	sadd.s32 $0x40, s30;
	v5 =	vld.idx.msk [tilespmem:v1+s31+$0x0 ss:$0x1], $0xffff  }
0x48: {  	_ =	sdelay $0x3  }
0x49: {  	v1 =	vld.idx.msk [tilespmem:v4+s31+$0x0 ss:$0x1], $0xffff;
	_ =	sdelay $0x4  }
0x4a: {  	v1 =	vsub.f32 v1, v5;
	_ =	sdelay $0x1  }
0x4b: {  	v1 =	vand.u32 $0x7FFFFFFF, v1  }
0x4c: {  	v62 =	vmin.f32 v1, $1.000000000e+00  }
0x4d: {  	v3 =	vld.idx.msk [tilespmem:v3+s31+$0x0 ss:$0x1], $0xffff;
	v63 =	vmul.f32 $-5.000000000e-01, v62;
	_ =	sdelay $0x1  }
0x4e: {  	v1 =	vadd.f32 v63, v1  }
0x4f: {  	p0 =	sne.s32 s28, s26;
	p1 =	seq.s32 s25, s11  }
0x50: {  	s0 =	simm.s32 $0x1;
	s25 =	sadd.s32 $0x1, s25;
	p0 =	por p1, p0;
	v1 =	vmul.f32 v1, v62  }
0x51: {  	s0 =	simm.s32 @!p0 $0x0;
	p0 =	sne.s32 s25, s7;
	vm0 =	vgt.s32 v3, $0x0  }
.Ltmp1:
0x52: {  	v1 =	vnsel vm0, $0x0, v1;
	(pc) =	sbr.rel @p0 .LBB2_2-.Ltmp1, $3  }
0x53: {  	v1 =	vadd.f32 v1, v2;
	_ =	sdelay $0x1  }
0x54: {  	s20 =	sadd.s32 s20, s29;
	s28 =	smov.u32 s26;
	s23 =	sadd.s32 s0, s23;
	[tilespmem:$0x0] =	vst v1  }
0x55: {  	s21 =	sadd.s32 s0, s21;
	s19 =	sadd.s32 s0, s19;
	_ =	strace $0x9000004F  }
0x56: {  	s18 =	sadd.s32 $0x1, s18  }
0x57: {  	p0 =	sne.s32 s18, s13  }
.Ltmp2:
0x58: {  	_ = 	snop;
	(pc) =	sbr.rel @p0 .LBB2_1-.Ltmp2, $4  }
0x59: {  	[hbm4b:s12+s2] =	stream.linear.scatter [tilespmem:s2], [sflag:$0x1], $0x80, $0x38;
	[tilespmem:$0x3080] =	vst v63  }
0x5a: {  	_ =	swait.ge [sflag:s17], $0x80  }
0x5b: {  	[sflag:s17] =	ssyncset.done $0x0  }
0x5c: {  	[sflag:s17] =	ssyncadd.s32 $0xFFFFFF80  }
0x5d: {  	_ =	sfence.sel $0x180000  }
0x5e: {  	[bflag:$0x0] =	sbarrier.arrive $0xFFFF  }
0x5f: {  	_ =	strace $0x90000047  }
0x60: {  	s0 =	stileid.u32;
	[bflag:$0x2] =	sbarrier.arrive $0xFFFF  }
0x61: {  	p0 =	sne.s32 s0, $0x0;
	s0 =	rddreg [dreg:$0x1]  }
0x62: {  	s0 =	sadd.s32 @!p0 $0x100000, s0  }
0x63: {  	[sflag:s0] =	ssyncadd.tile.s32 @!p0 $0x1;
	_ =	shalt  }
.Lfunc_end2:
_tile_overlayer_lowered:
.L_overlay_start_2:
0x64: {  	(tag) =	ssettag $0x2  }
0x65: {  	s0 =	rddreg [dreg:$0x0];
	s2 =	stileid.u32  }
0x66: {  	s1 =	rddreg [dreg:$0x1];
	p0 =	sne.s32 s2, $0x0  }
0x67: {  	s3 =	rddreg [dreg:$0x2];
	[bflag:$0x3] =	sbarrier.arrive $0xFFFF;
	s2 =	simm.s32 @!p0 $0x1C01  }
0x68: {  	[timem:s3], [sflag:s2] =	dma.local @!p0 [hbm:s0], s1  }
0x69: {  	s0 =	simm.s32 @!p0 $0x1  }
0x6a: {  	_ =	swait.ge @!p0 [sflag:s0], s1  }
0x6b: {  	s1 =	ssub.s32 @!p0 $0x0, s1;
	[sflag:s0] =	ssyncset.done @!p0 $0x0  }
0x6c: {  	[sflag:s0] =	ssyncadd.s32 @!p0 s1  }
0x6d: {  	[bflag:$0x3] =	sbarrier.arrive $0xFFFF  }
0x6e: {  	_ =	shalt  }

</sc_bundles>
